<compile_context>
chip_gen: v7x
topology: tpu7x:2x2x1
jax: 0.10.2.dev20260603
libtpu: 0.0.44.dev20260713+nightly
codegen_flags: <defaults>
</compile_context>

<pallas_src>
import functools

import jax
import jax.numpy as jnp
from jax import lax
from jax.experimental import pallas as pl
from jax.experimental.pallas import tpu as pltpu
from jax.experimental.pallas import tpu_sc as plsc

_B, _S, _D = 128, 32, 64
_N = _B * _S
_NP = _B * _B
_MARGIN = 0.3
_K_AP, _K_AN = 3, 6
_CI = 64
_RI = _CI * _S
_NI = _B // _CI
_NW = 32
_RPW = _NP // _NW
_LANES = 16
_NG = _RPW // _LANES


def _stage1_body(xall_ref, out_ref, xn_ref):
    i = pl.program_id(0)

    @pl.when(i == 0)
    def _():
        x = xall_ref[...].reshape(_N, _D)
        s = jnp.sum(x * x, axis=1, keepdims=True)
        xn_ref[...] = x * lax.rsqrt(jnp.maximum(s, 1e-24))

    xn = xn_ref[...]
    xr = xn_ref[pl.ds(i * _RI, _RI), :]
    g = lax.dot_general(xr, xn, (((1,), (1,)), ((), ())),
                        precision=lax.Precision.DEFAULT,
                        preferred_element_type=jnp.float32)
    out_ref[...] = 2.0 - 2.0 * jnp.max(g.reshape(_CI, _S, _N), axis=1)


def _mine_body(m_hbm, t6_hbm, t3_hbm, m_v, t6_v, t3_v):
    wid = lax.axis_index("c") * (_NW // 2) + lax.axis_index("s")
    base = wid * _RPW
    pltpu.sync_copy(m_hbm.at[pl.ds(wid * (_RPW // _B), _RPW // _B)], m_v)
    lanes = lax.iota(jnp.int32, _LANES)

    def group(g, carry):
        out6 = jnp.zeros((_LANES,), jnp.float32)
        out3 = jnp.zeros((_LANES,), jnp.float32)
        for r in range(_LANES):
            row = g * _LANES + r
            il = row // _B
            coff = (row % _B) * _S
            a = jnp.sort(m_v[il, pl.ds(coff, _LANES)])
            b = jnp.sort(m_v[il, pl.ds(coff + _LANES, _LANES)])
            st = jnp.sort(jnp.maximum(a, jnp.flip(b)))
            t6 = jnp.min(jnp.where(lanes >= _LANES - _K_AN, st, jnp.inf))
            t3 = jnp.min(jnp.where(lanes >= _LANES - _K_AP, st, jnp.inf))
            sel = lanes == r
            out6 = jnp.where(sel, t6, out6)
            out3 = jnp.where(sel, t3, out3)
        t6_v[pl.ds(g * _LANES, _LANES)] = out6
        t3_v[pl.ds(g * _LANES, _LANES)] = out3
        return carry

    lax.fori_loop(0, _NG, group, 0)
    pltpu.sync_copy(t6_v, t6_hbm.at[pl.ds(base, _RPW)])
    pltpu.sync_copy(t3_v, t3_hbm.at[pl.ds(base, _RPW)])


def _finish_body(t6_ref, t3_ref, out_ref):
    t6 = t6_ref[...]
    t3 = t3_ref[...]
    ri = lax.broadcasted_iota(jnp.int32, (_B, _B), 0)
    ci = lax.broadcasted_iota(jnp.int32, (_B, _B), 1)
    offd = ri != ci
    cand = jnp.minimum(t6, t6.T)
    an_sq = jnp.min(jnp.where(offd, cand, jnp.inf), axis=1, keepdims=True)
    ap_sq = jnp.max(jnp.where(offd, -jnp.inf, t3), axis=1, keepdims=True)
    d_ap = jnp.sqrt(jnp.maximum(ap_sq, 1e-12))
    d_an = jnp.sqrt(jnp.maximum(an_sq, 1e-12))
    loss = jnp.sum(jnp.maximum(d_ap - d_an + _MARGIN, 0.0)) * (1.0 / _B)
    out_ref[...] = jnp.broadcast_to(loss, (1, 1))


def _stage1(x):
    return pl.pallas_call(
        _stage1_body,
        grid=(_NI,),
        in_specs=[
            pl.BlockSpec((_B, _S, _D), lambda i: (0, 0, 0)),
        ],
        out_specs=pl.BlockSpec((_CI, _N), lambda i: (i, 0)),
        out_shape=jax.ShapeDtypeStruct((_B, _N), jnp.float32),
        scratch_shapes=[pltpu.VMEM((_N, _D), jnp.float32)],
    )(x)


@functools.lru_cache(maxsize=None)
def _make_mine():
    return functools.partial(
        pl.kernel,
        mesh=plsc.VectorSubcoreMesh(core_axis_name="c", subcore_axis_name="s"),
        out_type=(
            jax.ShapeDtypeStruct((_NP,), jnp.float32),
            jax.ShapeDtypeStruct((_NP,), jnp.float32),
        ),
        scratch_types=[
            pltpu.VMEM((_RPW // _B, _N), jnp.float32),
            pltpu.VMEM((_RPW,), jnp.float32),
            pltpu.VMEM((_RPW,), jnp.float32),
        ],
        compiler_params=pltpu.CompilerParams(needs_layout_passes=False),
    )(_mine_body)


def _finish(t6, t3):
    return pl.pallas_call(
        _finish_body,
        out_shape=jax.ShapeDtypeStruct((1, 1), jnp.float32),
    )(t6, t3)


def kernel(inputs, targets):
    m = _stage1(inputs)
    t6, t3 = _make_mine()(m)
    loss = _finish(t6.reshape(_B, _B), t3.reshape(_B, _B))
    return loss.reshape(())

# --- scband reference (transcript-rebuilt; emitter-appended) ---
"""Pipeline reference for scband-phd-loss-8040178778855 (READ-ONLY COPY).

The authoritative reference and input builder live on the scoring server;
editing this copy changes nothing except your own understanding.
"""

import jax, jax.numpy as jnp
import numpy as np

B, S, D = 128, 32, 64
MARGIN = 0.3
K_AP, K_AN = 3, 6


def setup_inputs(seed: int = 0) -> dict:
    key = jax.random.key(seed)
    inputs = jax.random.normal(jax.random.fold_in(key, 0), (B, S, D), dtype=jnp.float32)
    # arange -> unique labels per clip (each clip matches only itself)
    targets = jnp.arange(B)
    return {"inputs": inputs, "targets": targets}


def _phd_forward(inputs, targets):
    b, s, d = inputs.shape
    # F.normalize(p=2, dim=-1), eps=1e-12
    norm = jnp.linalg.norm(inputs, ord=2, axis=-1, keepdims=True)
    x = inputs / jnp.clip(norm, 1e-12)
    x = x.reshape(b * s, d)
    # pairwise euclidean distances: ||a||^2 + ||b||^2 - 2 a.b  (addmm_(1, -2, x, x.T))
    sq = jnp.sum(x * x, axis=1, keepdims=True)
    dist = sq + sq.T - 2.0 * (x @ x.T)
    dist = jnp.sqrt(jnp.clip(dist, 1e-12))
    # numpy stride-trick view (b, b, s, s): dist4[i,j,p,q] = dist[i*s+p, j*s+q]
    dist4 = dist.reshape(b, s, b, s).transpose(0, 2, 1, 3).reshape(b * b, s, s)
    matches = (targets[:, None] == targets[None, :]).reshape(-1)
    n_match = b              # unique labels -> exactly b diagonal matches
    n_diff = b * (b - 1)
    match_idx = jnp.nonzero(matches, size=n_match)[0]
    diff_idx = jnp.nonzero(jnp.logical_not(matches), size=n_diff)[0]
    dij = jnp.min(dist4, axis=1)   # (b*b, s)
    dji = jnp.min(dist4, axis=2)   # (b*b, s)
    # hard positive mining: k_ap-th largest of per-frame mins, max over both directions, max over positives
    dij_ap = dij[match_idx]
    dji_ap = dji[match_idx]
    ap1 = jax.lax.top_k(dij_ap, K_AP)[0][:, -1]
    ap2 = jax.lax.top_k(dji_ap, K_AP)[0][:, -1]
    comb_ap = jnp.stack([ap1, ap2], axis=1)
    d_ap = jnp.max(comb_ap, axis=1).reshape(b, -1)
    dist_ap = jnp.max(d_ap, axis=1)
    # hard negative mining: k_an-th largest of per-frame mins, min over both directions, min over negatives
    dij_an = dij[diff_idx]
    dji_an = dji[diff_idx]
    an1 = jax.lax.top_k(dij_an, K_AN)[0][:, -1]
    an2 = jax.lax.top_k(dji_an, K_AN)[0][:, -1]
    comb_an = jnp.stack([an1, an2], axis=1)
    d_an = jnp.min(comb_an, axis=1).reshape(b, -1)
    dist_an = jnp.min(d_an, axis=1)
    # MarginRankingLoss with y=1: mean(max(0, dist_ap - dist_an + margin))
    loss = jnp.mean(jax.nn.relu(dist_ap - dist_an + MARGIN))
    return loss


def reference(inputs, targets):
    return _phd_forward(inputs, targets)

if __name__ == "__main__":
    import jax
    _d = setup_inputs()
    print(jax.jit(kernel)(*tuple(_d.values())))

</pallas_src>

<mosaic_0001>
#map = affine_map<(d0, d1) -> (0, 0)>
#map1 = affine_map<(d0, d1) -> (0)>
module attributes {stable_mosaic.version = 14 : i64} {
  func.func @_mine_body(%arg0: i32, %arg1: i32, %arg2: memref<128x4096xf32, #tpu.memory_space<hbm>>, %arg3: memref<16384xf32, #tpu.memory_space<hbm>>, %arg4: memref<16384xf32, #tpu.memory_space<hbm>>, %arg5: memref<4x4096xf32, #tpu.memory_space<vmem>>, %arg6: memref<512xf32, #tpu.memory_space<vmem>>, %arg7: memref<512xf32, #tpu.memory_space<vmem>>) attributes {dimension_semantics = [#tpu.dimension_semantics<core_parallel>, #tpu.dimension_semantics<subcore_parallel>], iteration_bounds = array<i64: 2, 16>, scalar_prefetch = 0 : i64, scratch_operands = 3 : i64, tpu.core_type = #tpu.core_type<sc_vector_subcore>, window_params = [{transform_indices = #map}, {transform_indices = #map1}, {transform_indices = #map1}]} {
    %mul3A = arith.constant 16 : i32
    %mul3A_0 = arith.muli %arg0, %mul3A : i32
    %add3A = arith.addi %mul3A_0, %arg1 : i32
    %mul3A_1 = arith.constant 512 : i32
    %mul3A_2 = arith.muli %add3A, %mul3A_1 : i32
    %mul3A_3 = arith.constant 4 : i32
    %mul3A_4 = arith.muli %add3A, %mul3A_3 : i32
    "tpu.region"() ({
      %run_scoped3A = tpu.sem_alloc : memref<!tpu.dma_semaphore, #tpu.memory_space<semaphore_mem>>
      %dma_start3A = arith.constant 0 : i32
      %dma_start3A_10 = tpu.memref_slice %arg2[%mul3A_4, %dma_start3A] : memref<128x4096xf32, #tpu.memory_space<hbm>> -> memref<4x4096xf32, #tpu.memory_space<hbm>>
      %dma_start3A_11 = arith.constant 0 : i32
      %dma_start3A_12 = tpu.memref_slice %arg2[%mul3A_4, %dma_start3A_11] : memref<128x4096xf32, #tpu.memory_space<hbm>> -> memref<4x4096xf32, #tpu.memory_space<hbm>>
      tpu.enqueue_dma source(%dma_start3A_12 : memref<4x4096xf32, #tpu.memory_space<hbm>>) target(%arg5 : memref<4x4096xf32, #tpu.memory_space<vmem>>) target_semaphore(%run_scoped3A : memref<!tpu.dma_semaphore, #tpu.memory_space<semaphore_mem>>)
      %dma_wait3A = arith.constant 0 : i32
      %dma_wait3A_13 = tpu.memref_slice %arg2[%mul3A_4, %dma_wait3A] : memref<128x4096xf32, #tpu.memory_space<hbm>> -> memref<4x4096xf32, #tpu.memory_space<hbm>>
      %dma_wait3A_14 = arith.constant 0 : i32
      %dma_wait3A_15 = tpu.memref_slice %arg2[%mul3A_4, %dma_wait3A_14] : memref<128x4096xf32, #tpu.memory_space<hbm>> -> memref<4x4096xf32, #tpu.memory_space<hbm>>
      tpu.wait_dma2 semaphore(%run_scoped3A : memref<!tpu.dma_semaphore, #tpu.memory_space<semaphore_mem>>) src(%dma_wait3A_15 : memref<4x4096xf32, #tpu.memory_space<hbm>>) dst(%arg5 : memref<4x4096xf32, #tpu.memory_space<vmem>>)
      tpu.yield
    }) : () -> ()
    %iota3A = tpu.iota {dimensions = array<i32: 0>} : vector<16xi32>
    %scan3A = arith.constant 0 : i32
    %scan3A_5 = arith.constant 0 : i32
    %scan3A_6 = arith.constant 32 : i32
    %scan3A_7 = arith.addi %scan3A_5, %scan3A_6 : i32
    %scan3A_8 = arith.constant 1 : i32
    scf.for %scan3A_10 = %scan3A_5 to %scan3A_7 step %scan3A_8  : i32 {
      %broadcast_in_dim3A = arith.constant 0.000000e+00 : f32
      %broadcast_in_dim3A_11 = vector.broadcast %broadcast_in_dim3A : f32 to vector<16xf32>
      %broadcast_in_dim3A_12 = arith.constant 0.000000e+00 : f32
      %broadcast_in_dim3A_13 = vector.broadcast %broadcast_in_dim3A_12 : f32 to vector<16xf32>
      %mul3A_14 = arith.constant 16 : i32
      %mul3A_15 = arith.muli %scan3A_10, %mul3A_14 : i32
      %add3A_16 = arith.constant 0 : i32
      %add3A_17 = arith.addi %mul3A_15, %add3A_16 : i32
      %jit3A = arith.constant 128 : i32
      %div3A = arith.divsi %add3A_17, %jit3A : i32
      %sign3A = arith.constant 0 : i32
      %sign3A_18 = arith.cmpi sgt, %add3A_17, %sign3A : i32
      %sign3A_19 = arith.extui %sign3A_18 : i1 to i32
      %sign3A_20 = arith.constant 0 : i32
      %sign3A_21 = arith.cmpi slt, %add3A_17, %sign3A_20 : i32
      %sign3A_22 = arith.extui %sign3A_21 : i1 to i32
      %sign3A_23 = arith.subi %sign3A_19, %sign3A_22 : i32
      %sign3A_24 = arith.constant 0 : i32
      %sign3A_25 = arith.cmpi sgt, %jit3A, %sign3A_24 : i32
      %sign3A_26 = arith.extui %sign3A_25 : i1 to i32
      %sign3A_27 = arith.constant 0 : i32
      %sign3A_28 = arith.cmpi slt, %jit3A, %sign3A_27 : i32
      %sign3A_29 = arith.extui %sign3A_28 : i1 to i32
      %sign3A_30 = arith.subi %sign3A_26, %sign3A_29 : i32
      %ne3A = arith.cmpi ne, %sign3A_23, %sign3A_30 : i32
      %rem3A = arith.remsi %add3A_17, %jit3A : i32
      %ne3A_31 = arith.constant 0 : i32
      %ne3A_32 = arith.cmpi ne, %rem3A, %ne3A_31 : i32
      %and3A = arith.andi %ne3A, %ne3A_32 : i1
      %sub3A = arith.constant 1 : i32
      %sub3A_33 = arith.subi %div3A, %sub3A : i32
      %select_n3A = arith.select %and3A, %sub3A_33, %div3A : i32
      %jit3A_34 = arith.constant 128 : i32
      %eq3A = arith.constant 0 : i32
      %eq3A_35 = arith.cmpi eq, %jit3A_34, %eq3A : i32
      %jit3A_36 = arith.constant 1 : i32
      %select_n3A_37 = arith.select %eq3A_35, %jit3A_36, %jit3A_34 : i32
      %rem3A_38 = arith.remsi %add3A_17, %select_n3A_37 : i32
      %ne3A_39 = arith.constant 0 : i32
      %ne3A_40 = arith.cmpi ne, %rem3A_38, %ne3A_39 : i32
      %lt3A = arith.constant 0 : i32
      %lt3A_41 = arith.cmpi slt, %rem3A_38, %lt3A : i32
      %lt3A_42 = arith.constant 0 : i32
      %lt3A_43 = arith.cmpi slt, %select_n3A_37, %lt3A_42 : i32
      %ne3A_44 = arith.xori %lt3A_41, %lt3A_43 : i1
      %and3A_45 = arith.andi %ne3A_44, %ne3A_40 : i1
      %add3A_46 = arith.addi %rem3A_38, %select_n3A_37 : i32
      %select_n3A_47 = arith.select %and3A_45, %add3A_46, %rem3A_38 : i32
      %mul3A_48 = arith.constant 32 : i32
      %mul3A_49 = arith.muli %select_n3A_47, %mul3A_48 : i32
      %get3A = arith.index_cast %select_n3A : i32 to index
      %get3A_50 = arith.index_cast %mul3A_49 : i32 to index
      %get3A_51 = tpu.vector_load %arg5[%get3A, %get3A_50] {strides = array<i32>} : memref<4x4096xf32, #tpu.memory_space<vmem>>, vector<16xf32>,
      %sort3A = arith.constant dense<true> : vector<16xi1>
      %sort3A_52, %sort3A_53, %sort3A_54 = tpu.sort %get3A_51, %get3A_51 masked %sort3A : (vector<16xf32>, vector<16xf32>, vector<16xi1>) -> (vector<16xi1>, vector<16xf32>, vector<16xf32>)
      %add3A_55 = arith.constant 16 : i32
      %add3A_56 = arith.addi %mul3A_49, %add3A_55 : i32
      %get3A_57 = arith.index_cast %select_n3A : i32 to index
      %get3A_58 = arith.index_cast %add3A_56 : i32 to index
      %get3A_59 = tpu.vector_load %arg5[%get3A_57, %get3A_58] {strides = array<i32>} : memref<4x4096xf32, #tpu.memory_space<vmem>>, vector<16xf32>,
      %sort3A_60 = arith.constant dense<true> : vector<16xi1>
      %sort3A_61, %sort3A_62, %sort3A_63 = tpu.sort %get3A_59, %get3A_59 masked %sort3A_60 : (vector<16xf32>, vector<16xf32>, vector<16xi1>) -> (vector<16xi1>, vector<16xf32>, vector<16xf32>)
      %rev3A = arith.constant 15 : i32
      %rev3A_64 = vector.broadcast %rev3A : i32 to vector<16xi32>
      %rev3A_65 = tpu.iota {dimensions = array<i32: 0>} : vector<16xi32>
      %rev3A_66 = arith.subi %rev3A_64, %rev3A_65 : vector<16xi32>
      %rev3A_67 = tpu.dynamic_gather %sort3A_62[%rev3A_66] in [0] : vector<16xf32>, vector<16xi32> -> vector<16xf32>
      %max3A = arith.maximumf %sort3A_53, %rev3A_67 : vector<16xf32>
      %sort3A_68 = arith.constant dense<true> : vector<16xi1>
      %sort3A_69, %sort3A_70, %sort3A_71 = tpu.sort %max3A, %max3A masked %sort3A_68 : (vector<16xf32>, vector<16xf32>, vector<16xi1>) -> (vector<16xi1>, vector<16xf32>, vector<16xf32>)
      %ge3A = arith.constant 10 : i32
      %ge3A_72 = vector.broadcast %ge3A : i32 to vector<16xi32>
      %ge3A_73 = arith.cmpi sge, %iota3A, %ge3A_72 : vector<16xi32>
      %jit3A_74 = arith.constant 0x7F800000 : f32
      %broadcast_in_dim3A_75 = vector.broadcast %jit3A_74 : f32 to vector<16xf32>
      %select_n3A_76 = arith.select %ge3A_73, %sort3A_70, %broadcast_in_dim3A_75 : vector<16xi1>, vector<16xf32>
      %reduce_min3A = arith.constant true
      %reduce_min3A_77 = vector.broadcast %reduce_min3A : i1 to vector<16xi1>
      %reduce_min3A_78 = tpu.scan <min>, %select_n3A_76 masked %reduce_min3A_77 : vector<16xf32>, vector<16xi1> -> vector<16xf32>
      %reduce_min3A_79 = vector.extract %reduce_min3A_78[15] : f32 from vector<16xf32>
      %ge3A_80 = arith.constant 13 : i32
      %ge3A_81 = vector.broadcast %ge3A_80 : i32 to vector<16xi32>
      %ge3A_82 = arith.cmpi sge, %iota3A, %ge3A_81 : vector<16xi32>
      %jit3A_83 = arith.constant 0x7F800000 : f32
      %broadcast_in_dim3A_84 = vector.broadcast %jit3A_83 : f32 to vector<16xf32>
      %select_n3A_85 = arith.select %ge3A_82, %sort3A_70, %broadcast_in_dim3A_84 : vector<16xi1>, vector<16xf32>
      %reduce_min3A_86 = arith.constant true
      %reduce_min3A_87 = vector.broadcast %reduce_min3A_86 : i1 to vector<16xi1>
      %reduce_min3A_88 = tpu.scan <min>, %select_n3A_85 masked %reduce_min3A_87 : vector<16xf32>, vector<16xi1> -> vector<16xf32>
      %reduce_min3A_89 = vector.extract %reduce_min3A_88[15] : f32 from vector<16xf32>
      %eq3A_90 = arith.constant 0 : i32
      %eq3A_91 = vector.broadcast %eq3A_90 : i32 to vector<16xi32>
      %eq3A_92 = arith.cmpi eq, %iota3A, %eq3A_91 : vector<16xi32>
      %broadcast_in_dim3A_93 = vector.broadcast %reduce_min3A_79 : f32 to vector<16xf32>
      %select_n3A_94 = arith.select %eq3A_92, %broadcast_in_dim3A_93, %broadcast_in_dim3A_11 : vector<16xi1>, vector<16xf32>
      %broadcast_in_dim3A_95 = vector.broadcast %reduce_min3A_89 : f32 to vector<16xf32>
      %select_n3A_96 = arith.select %eq3A_92, %broadcast_in_dim3A_95, %broadcast_in_dim3A_13 : vector<16xi1>, vector<16xf32>
      %mul3A_97 = arith.constant 16 : i32
      %mul3A_98 = arith.muli %scan3A_10, %mul3A_97 : i32
      %add3A_99 = arith.constant 1 : i32
      %add3A_100 = arith.addi %mul3A_98, %add3A_99 : i32
      %jit3A_101 = arith.constant 128 : i32
      %div3A_102 = arith.divsi %add3A_100, %jit3A_101 : i32
      %sign3A_103 = arith.constant 0 : i32
      %sign3A_104 = arith.cmpi sgt, %add3A_100, %sign3A_103 : i32
      %sign3A_105 = arith.extui %sign3A_104 : i1 to i32
      %sign3A_106 = arith.constant 0 : i32
      %sign3A_107 = arith.cmpi slt, %add3A_100, %sign3A_106 : i32
      %sign3A_108 = arith.extui %sign3A_107 : i1 to i32
      %sign3A_109 = arith.subi %sign3A_105, %sign3A_108 : i32
      %sign3A_110 = arith.constant 0 : i32
      %sign3A_111 = arith.cmpi sgt, %jit3A_101, %sign3A_110 : i32
      %sign3A_112 = arith.extui %sign3A_111 : i1 to i32
      %sign3A_113 = arith.constant 0 : i32
      %sign3A_114 = arith.cmpi slt, %jit3A_101, %sign3A_113 : i32
      %sign3A_115 = arith.extui %sign3A_114 : i1 to i32
      %sign3A_116 = arith.subi %sign3A_112, %sign3A_115 : i32
      %ne3A_117 = arith.cmpi ne, %sign3A_109, %sign3A_116 : i32
      %rem3A_118 = arith.remsi %add3A_100, %jit3A_101 : i32
      %ne3A_119 = arith.constant 0 : i32
      %ne3A_120 = arith.cmpi ne, %rem3A_118, %ne3A_119 : i32
      %and3A_121 = arith.andi %ne3A_117, %ne3A_120 : i1
      %sub3A_122 = arith.constant 1 : i32
      %sub3A_123 = arith.subi %div3A_102, %sub3A_122 : i32
      %select_n3A_124 = arith.select %and3A_121, %sub3A_123, %div3A_102 : i32
      %jit3A_125 = arith.constant 128 : i32
      %eq3A_126 = arith.constant 0 : i32
      %eq3A_127 = arith.cmpi eq, %jit3A_125, %eq3A_126 : i32
      %jit3A_128 = arith.constant 1 : i32
      %select_n3A_129 = arith.select %eq3A_127, %jit3A_128, %jit3A_125 : i32
      %rem3A_130 = arith.remsi %add3A_100, %select_n3A_129 : i32
      %ne3A_131 = arith.constant 0 : i32
      %ne3A_132 = arith.cmpi ne, %rem3A_130, %ne3A_131 : i32
      %lt3A_133 = arith.constant 0 : i32
      %lt3A_134 = arith.cmpi slt, %rem3A_130, %lt3A_133 : i32
      %lt3A_135 = arith.constant 0 : i32
      %lt3A_136 = arith.cmpi slt, %select_n3A_129, %lt3A_135 : i32
      %ne3A_137 = arith.xori %lt3A_134, %lt3A_136 : i1
      %and3A_138 = arith.andi %ne3A_137, %ne3A_132 : i1
      %add3A_139 = arith.addi %rem3A_130, %select_n3A_129 : i32
      %select_n3A_140 = arith.select %and3A_138, %add3A_139, %rem3A_130 : i32
      %mul3A_141 = arith.constant 32 : i32
      %mul3A_142 = arith.muli %select_n3A_140, %mul3A_141 : i32
      %get3A_143 = arith.index_cast %select_n3A_124 : i32 to index
      %get3A_144 = arith.index_cast %mul3A_142 : i32 to index
      %get3A_145 = tpu.vector_load %arg5[%get3A_143, %get3A_144] {strides = array<i32>} : memref<4x4096xf32, #tpu.memory_space<vmem>>, vector<16xf32>,
      %sort3A_146 = arith.constant dense<true> : vector<16xi1>
      %sort3A_147, %sort3A_148, %sort3A_149 = tpu.sort %get3A_145, %get3A_145 masked %sort3A_146 : (vector<16xf32>, vector<16xf32>, vector<16xi1>) -> (vector<16xi1>, vector<16xf32>, vector<16xf32>)
      %add3A_150 = arith.constant 16 : i32
      %add3A_151 = arith.addi %mul3A_142, %add3A_150 : i32
      %get3A_152 = arith.index_cast %select_n3A_124 : i32 to index
      %get3A_153 = arith.index_cast %add3A_151 : i32 to index
      %get3A_154 = tpu.vector_load %arg5[%get3A_152, %get3A_153] {strides = array<i32>} : memref<4x4096xf32, #tpu.memory_space<vmem>>, vector<16xf32>,
      %sort3A_155 = arith.constant dense<true> : vector<16xi1>
      %sort3A_156, %sort3A_157, %sort3A_158 = tpu.sort %get3A_154, %get3A_154 masked %sort3A_155 : (vector<16xf32>, vector<16xf32>, vector<16xi1>) -> (vector<16xi1>, vector<16xf32>, vector<16xf32>)
      %rev3A_159 = arith.constant 15 : i32
      %rev3A_160 = vector.broadcast %rev3A_159 : i32 to vector<16xi32>
      %rev3A_161 = tpu.iota {dimensions = array<i32: 0>} : vector<16xi32>
      %rev3A_162 = arith.subi %rev3A_160, %rev3A_161 : vector<16xi32>
      %rev3A_163 = tpu.dynamic_gather %sort3A_157[%rev3A_162] in [0] : vector<16xf32>, vector<16xi32> -> vector<16xf32>
      %max3A_164 = arith.maximumf %sort3A_148, %rev3A_163 : vector<16xf32>
      %sort3A_165 = arith.constant dense<true> : vector<16xi1>
      %sort3A_166, %sort3A_167, %sort3A_168 = tpu.sort %max3A_164, %max3A_164 masked %sort3A_165 : (vector<16xf32>, vector<16xf32>, vector<16xi1>) -> (vector<16xi1>, vector<16xf32>, vector<16xf32>)
      %ge3A_169 = arith.constant 10 : i32
      %ge3A_170 = vector.broadcast %ge3A_169 : i32 to vector<16xi32>
      %ge3A_171 = arith.cmpi sge, %iota3A, %ge3A_170 : vector<16xi32>
      %jit3A_172 = arith.constant 0x7F800000 : f32
      %broadcast_in_dim3A_173 = vector.broadcast %jit3A_172 : f32 to vector<16xf32>
      %select_n3A_174 = arith.select %ge3A_171, %sort3A_167, %broadcast_in_dim3A_173 : vector<16xi1>, vector<16xf32>
      %reduce_min3A_175 = arith.constant true
      %reduce_min3A_176 = vector.broadcast %reduce_min3A_175 : i1 to vector<16xi1>
      %reduce_min3A_177 = tpu.scan <min>, %select_n3A_174 masked %reduce_min3A_176 : vector<16xf32>, vector<16xi1> -> vector<16xf32>
      %reduce_min3A_178 = vector.extract %reduce_min3A_177[15] : f32 from vector<16xf32>
      %ge3A_179 = arith.constant 13 : i32
      %ge3A_180 = vector.broadcast %ge3A_179 : i32 to vector<16xi32>
      %ge3A_181 = arith.cmpi sge, %iota3A, %ge3A_180 : vector<16xi32>
      %jit3A_182 = arith.constant 0x7F800000 : f32
      %broadcast_in_dim3A_183 = vector.broadcast %jit3A_182 : f32 to vector<16xf32>
      %select_n3A_184 = arith.select %ge3A_181, %sort3A_167, %broadcast_in_dim3A_183 : vector<16xi1>, vector<16xf32>
      %reduce_min3A_185 = arith.constant true
      %reduce_min3A_186 = vector.broadcast %reduce_min3A_185 : i1 to vector<16xi1>
      %reduce_min3A_187 = tpu.scan <min>, %select_n3A_184 masked %reduce_min3A_186 : vector<16xf32>, vector<16xi1> -> vector<16xf32>
      %reduce_min3A_188 = vector.extract %reduce_min3A_187[15] : f32 from vector<16xf32>
      %eq3A_189 = arith.constant 1 : i32
      %eq3A_190 = vector.broadcast %eq3A_189 : i32 to vector<16xi32>
      %eq3A_191 = arith.cmpi eq, %iota3A, %eq3A_190 : vector<16xi32>
      %broadcast_in_dim3A_192 = vector.broadcast %reduce_min3A_178 : f32 to vector<16xf32>
      %select_n3A_193 = arith.select %eq3A_191, %broadcast_in_dim3A_192, %select_n3A_94 : vector<16xi1>, vector<16xf32>
      %broadcast_in_dim3A_194 = vector.broadcast %reduce_min3A_188 : f32 to vector<16xf32>
      %select_n3A_195 = arith.select %eq3A_191, %broadcast_in_dim3A_194, %select_n3A_96 : vector<16xi1>, vector<16xf32>
      %mul3A_196 = arith.constant 16 : i32
      %mul3A_197 = arith.muli %scan3A_10, %mul3A_196 : i32
      %add3A_198 = arith.constant 2 : i32
      %add3A_199 = arith.addi %mul3A_197, %add3A_198 : i32
      %jit3A_200 = arith.constant 128 : i32
      %div3A_201 = arith.divsi %add3A_199, %jit3A_200 : i32
      %sign3A_202 = arith.constant 0 : i32
      %sign3A_203 = arith.cmpi sgt, %add3A_199, %sign3A_202 : i32
      %sign3A_204 = arith.extui %sign3A_203 : i1 to i32
      %sign3A_205 = arith.constant 0 : i32
      %sign3A_206 = arith.cmpi slt, %add3A_199, %sign3A_205 : i32
      %sign3A_207 = arith.extui %sign3A_206 : i1 to i32
      %sign3A_208 = arith.subi %sign3A_204, %sign3A_207 : i32
      %sign3A_209 = arith.constant 0 : i32
      %sign3A_210 = arith.cmpi sgt, %jit3A_200, %sign3A_209 : i32
      %sign3A_211 = arith.extui %sign3A_210 : i1 to i32
      %sign3A_212 = arith.constant 0 : i32
      %sign3A_213 = arith.cmpi slt, %jit3A_200, %sign3A_212 : i32
      %sign3A_214 = arith.extui %sign3A_213 : i1 to i32
      %sign3A_215 = arith.subi %sign3A_211, %sign3A_214 : i32
      %ne3A_216 = arith.cmpi ne, %sign3A_208, %sign3A_215 : i32
      %rem3A_217 = arith.remsi %add3A_199, %jit3A_200 : i32
      %ne3A_218 = arith.constant 0 : i32
      %ne3A_219 = arith.cmpi ne, %rem3A_217, %ne3A_218 : i32
      %and3A_220 = arith.andi %ne3A_216, %ne3A_219 : i1
      %sub3A_221 = arith.constant 1 : i32
      %sub3A_222 = arith.subi %div3A_201, %sub3A_221 : i32
      %select_n3A_223 = arith.select %and3A_220, %sub3A_222, %div3A_201 : i32
      %jit3A_224 = arith.constant 128 : i32
      %eq3A_225 = arith.constant 0 : i32
      %eq3A_226 = arith.cmpi eq, %jit3A_224, %eq3A_225 : i32
      %jit3A_227 = arith.constant 1 : i32
      %select_n3A_228 = arith.select %eq3A_226, %jit3A_227, %jit3A_224 : i32
      %rem3A_229 = arith.remsi %add3A_199, %select_n3A_228 : i32
      %ne3A_230 = arith.constant 0 : i32
      %ne3A_231 = arith.cmpi ne, %rem3A_229, %ne3A_230 : i32
      %lt3A_232 = arith.constant 0 : i32
      %lt3A_233 = arith.cmpi slt, %rem3A_229, %lt3A_232 : i32
      %lt3A_234 = arith.constant 0 : i32
      %lt3A_235 = arith.cmpi slt, %select_n3A_228, %lt3A_234 : i32
      %ne3A_236 = arith.xori %lt3A_233, %lt3A_235 : i1
      %and3A_237 = arith.andi %ne3A_236, %ne3A_231 : i1
      %add3A_238 = arith.addi %rem3A_229, %select_n3A_228 : i32
      %select_n3A_239 = arith.select %and3A_237, %add3A_238, %rem3A_229 : i32
      %mul3A_240 = arith.constant 32 : i32
      %mul3A_241 = arith.muli %select_n3A_239, %mul3A_240 : i32
      %get3A_242 = arith.index_cast %select_n3A_223 : i32 to index
      %get3A_243 = arith.index_cast %mul3A_241 : i32 to index
      %get3A_244 = tpu.vector_load %arg5[%get3A_242, %get3A_243] {strides = array<i32>} : memref<4x4096xf32, #tpu.memory_space<vmem>>, vector<16xf32>,
      %sort3A_245 = arith.constant dense<true> : vector<16xi1>
      %sort3A_246, %sort3A_247, %sort3A_248 = tpu.sort %get3A_244, %get3A_244 masked %sort3A_245 : (vector<16xf32>, vector<16xf32>, vector<16xi1>) -> (vector<16xi1>, vector<16xf32>, vector<16xf32>)
      %add3A_249 = arith.constant 16 : i32
      %add3A_250 = arith.addi %mul3A_241, %add3A_249 : i32
      %get3A_251 = arith.index_cast %select_n3A_223 : i32 to index
      %get3A_252 = arith.index_cast %add3A_250 : i32 to index
      %get3A_253 = tpu.vector_load %arg5[%get3A_251, %get3A_252] {strides = array<i32>} : memref<4x4096xf32, #tpu.memory_space<vmem>>, vector<16xf32>,
      %sort3A_254 = arith.constant dense<true> : vector<16xi1>
      %sort3A_255, %sort3A_256, %sort3A_257 = tpu.sort %get3A_253, %get3A_253 masked %sort3A_254 : (vector<16xf32>, vector<16xf32>, vector<16xi1>) -> (vector<16xi1>, vector<16xf32>, vector<16xf32>)
      %rev3A_258 = arith.constant 15 : i32
      %rev3A_259 = vector.broadcast %rev3A_258 : i32 to vector<16xi32>
      %rev3A_260 = tpu.iota {dimensions = array<i32: 0>} : vector<16xi32>
      %rev3A_261 = arith.subi %rev3A_259, %rev3A_260 : vector<16xi32>
      %rev3A_262 = tpu.dynamic_gather %sort3A_256[%rev3A_261] in [0] : vector<16xf32>, vector<16xi32> -> vector<16xf32>
      %max3A_263 = arith.maximumf %sort3A_247, %rev3A_262 : vector<16xf32>
      %sort3A_264 = arith.constant dense<true> : vector<16xi1>
      %sort3A_265, %sort3A_266, %sort3A_267 = tpu.sort %max3A_263, %max3A_263 masked %sort3A_264 : (vector<16xf32>, vector<16xf32>, vector<16xi1>) -> (vector<16xi1>, vector<16xf32>, vector<16xf32>)
      %ge3A_268 = arith.constant 10 : i32
      %ge3A_269 = vector.broadcast %ge3A_268 : i32 to vector<16xi32>
      %ge3A_270 = arith.cmpi sge, %iota3A, %ge3A_269 : vector<16xi32>
      %jit3A_271 = arith.constant 0x7F800000 : f32
      %broadcast_in_dim3A_272 = vector.broadcast %jit3A_271 : f32 to vector<16xf32>
      %select_n3A_273 = arith.select %ge3A_270, %sort3A_266, %broadcast_in_dim3A_272 : vector<16xi1>, vector<16xf32>
      %reduce_min3A_274 = arith.constant true
      %reduce_min3A_275 = vector.broadcast %reduce_min3A_274 : i1 to vector<16xi1>
      %reduce_min3A_276 = tpu.scan <min>, %select_n3A_273 masked %reduce_min3A_275 : vector<16xf32>, vector<16xi1> -> vector<16xf32>
      %reduce_min3A_277 = vector.extract %reduce_min3A_276[15] : f32 from vector<16xf32>
      %ge3A_278 = arith.constant 13 : i32
      %ge3A_279 = vector.broadcast %ge3A_278 : i32 to vector<16xi32>
      %ge3A_280 = arith.cmpi sge, %iota3A, %ge3A_279 : vector<16xi32>
      %jit3A_281 = arith.constant 0x7F800000 : f32
      %broadcast_in_dim3A_282 = vector.broadcast %jit3A_281 : f32 to vector<16xf32>
      %select_n3A_283 = arith.select %ge3A_280, %sort3A_266, %broadcast_in_dim3A_282 : vector<16xi1>, vector<16xf32>
      %reduce_min3A_284 = arith.constant true
      %reduce_min3A_285 = vector.broadcast %reduce_min3A_284 : i1 to vector<16xi1>
      %reduce_min3A_286 = tpu.scan <min>, %select_n3A_283 masked %reduce_min3A_285 : vector<16xf32>, vector<16xi1> -> vector<16xf32>
      %reduce_min3A_287 = vector.extract %reduce_min3A_286[15] : f32 from vector<16xf32>
      %eq3A_288 = arith.constant 2 : i32
      %eq3A_289 = vector.broadcast %eq3A_288 : i32 to vector<16xi32>
      %eq3A_290 = arith.cmpi eq, %iota3A, %eq3A_289 : vector<16xi32>
      %broadcast_in_dim3A_291 = vector.broadcast %reduce_min3A_277 : f32 to vector<16xf32>
      %select_n3A_292 = arith.select %eq3A_290, %broadcast_in_dim3A_291, %select_n3A_193 : vector<16xi1>, vector<16xf32>
      %broadcast_in_dim3A_293 = vector.broadcast %reduce_min3A_287 : f32 to vector<16xf32>
      %select_n3A_294 = arith.select %eq3A_290, %broadcast_in_dim3A_293, %select_n3A_195 : vector<16xi1>, vector<16xf32>
      %mul3A_295 = arith.constant 16 : i32
      %mul3A_296 = arith.muli %scan3A_10, %mul3A_295 : i32
      %add3A_297 = arith.constant 3 : i32
      %add3A_298 = arith.addi %mul3A_296, %add3A_297 : i32
      %jit3A_299 = arith.constant 128 : i32
      %div3A_300 = arith.divsi %add3A_298, %jit3A_299 : i32
      %sign3A_301 = arith.constant 0 : i32
      %sign3A_302 = arith.cmpi sgt, %add3A_298, %sign3A_301 : i32
      %sign3A_303 = arith.extui %sign3A_302 : i1 to i32
      %sign3A_304 = arith.constant 0 : i32
      %sign3A_305 = arith.cmpi slt, %add3A_298, %sign3A_304 : i32
      %sign3A_306 = arith.extui %sign3A_305 : i1 to i32
      %sign3A_307 = arith.subi %sign3A_303, %sign3A_306 : i32
      %sign3A_308 = arith.constant 0 : i32
      %sign3A_309 = arith.cmpi sgt, %jit3A_299, %sign3A_308 : i32
      %sign3A_310 = arith.extui %sign3A_309 : i1 to i32
      %sign3A_311 = arith.constant 0 : i32
      %sign3A_312 = arith.cmpi slt, %jit3A_299, %sign3A_311 : i32
      %sign3A_313 = arith.extui %sign3A_312 : i1 to i32
      %sign3A_314 = arith.subi %sign3A_310, %sign3A_313 : i32
      %ne3A_315 = arith.cmpi ne, %sign3A_307, %sign3A_314 : i32
      %rem3A_316 = arith.remsi %add3A_298, %jit3A_299 : i32
      %ne3A_317 = arith.constant 0 : i32
      %ne3A_318 = arith.cmpi ne, %rem3A_316, %ne3A_317 : i32
      %and3A_319 = arith.andi %ne3A_315, %ne3A_318 : i1
      %sub3A_320 = arith.constant 1 : i32
      %sub3A_321 = arith.subi %div3A_300, %sub3A_320 : i32
      %select_n3A_322 = arith.select %and3A_319, %sub3A_321, %div3A_300 : i32
      %jit3A_323 = arith.constant 128 : i32
      %eq3A_324 = arith.constant 0 : i32
      %eq3A_325 = arith.cmpi eq, %jit3A_323, %eq3A_324 : i32
      %jit3A_326 = arith.constant 1 : i32
      %select_n3A_327 = arith.select %eq3A_325, %jit3A_326, %jit3A_323 : i32
      %rem3A_328 = arith.remsi %add3A_298, %select_n3A_327 : i32
      %ne3A_329 = arith.constant 0 : i32
      %ne3A_330 = arith.cmpi ne, %rem3A_328, %ne3A_329 : i32
      %lt3A_331 = arith.constant 0 : i32
      %lt3A_332 = arith.cmpi slt, %rem3A_328, %lt3A_331 : i32
      %lt3A_333 = arith.constant 0 : i32
      %lt3A_334 = arith.cmpi slt, %select_n3A_327, %lt3A_333 : i32
      %ne3A_335 = arith.xori %lt3A_332, %lt3A_334 : i1
      %and3A_336 = arith.andi %ne3A_335, %ne3A_330 : i1
      %add3A_337 = arith.addi %rem3A_328, %select_n3A_327 : i32
      %select_n3A_338 = arith.select %and3A_336, %add3A_337, %rem3A_328 : i32
      %mul3A_339 = arith.constant 32 : i32
      %mul3A_340 = arith.muli %select_n3A_338, %mul3A_339 : i32
      %get3A_341 = arith.index_cast %select_n3A_322 : i32 to index
      %get3A_342 = arith.index_cast %mul3A_340 : i32 to index
      %get3A_343 = tpu.vector_load %arg5[%get3A_341, %get3A_342] {strides = array<i32>} : memref<4x4096xf32, #tpu.memory_space<vmem>>, vector<16xf32>,
      %sort3A_344 = arith.constant dense<true> : vector<16xi1>
      %sort3A_345, %sort3A_346, %sort3A_347 = tpu.sort %get3A_343, %get3A_343 masked %sort3A_344 : (vector<16xf32>, vector<16xf32>, vector<16xi1>) -> (vector<16xi1>, vector<16xf32>, vector<16xf32>)
      %add3A_348 = arith.constant 16 : i32
      %add3A_349 = arith.addi %mul3A_340, %add3A_348 : i32
      %get3A_350 = arith.index_cast %select_n3A_322 : i32 to index
      %get3A_351 = arith.index_cast %add3A_349 : i32 to index
      %get3A_352 = tpu.vector_load %arg5[%get3A_350, %get3A_351] {strides = array<i32>} : memref<4x4096xf32, #tpu.memory_space<vmem>>, vector<16xf32>,
      %sort3A_353 = arith.constant dense<true> : vector<16xi1>
      %sort3A_354, %sort3A_355, %sort3A_356 = tpu.sort %get3A_352, %get3A_352 masked %sort3A_353 : (vector<16xf32>, vector<16xf32>, vector<16xi1>) -> (vector<16xi1>, vector<16xf32>, vector<16xf32>)
      %rev3A_357 = arith.constant 15 : i32
      %rev3A_358 = vector.broadcast %rev3A_357 : i32 to vector<16xi32>
      %rev3A_359 = tpu.iota {dimensions = array<i32: 0>} : vector<16xi32>
      %rev3A_360 = arith.subi %rev3A_358, %rev3A_359 : vector<16xi32>
      %rev3A_361 = tpu.dynamic_gather %sort3A_355[%rev3A_360] in [0] : vector<16xf32>, vector<16xi32> -> vector<16xf32>
      %max3A_362 = arith.maximumf %sort3A_346, %rev3A_361 : vector<16xf32>
      %sort3A_363 = arith.constant dense<true> : vector<16xi1>
      %sort3A_364, %sort3A_365, %sort3A_366 = tpu.sort %max3A_362, %max3A_362 masked %sort3A_363 : (vector<16xf32>, vector<16xf32>, vector<16xi1>) -> (vector<16xi1>, vector<16xf32>, vector<16xf32>)
      %ge3A_367 = arith.constant 10 : i32
      %ge3A_368 = vector.broadcast %ge3A_367 : i32 to vector<16xi32>
      %ge3A_369 = arith.cmpi sge, %iota3A, %ge3A_368 : vector<16xi32>
      %jit3A_370 = arith.constant 0x7F800000 : f32
      %broadcast_in_dim3A_371 = vector.broadcast %jit3A_370 : f32 to vector<16xf32>
      %select_n3A_372 = arith.select %ge3A_369, %sort3A_365, %broadcast_in_dim3A_371 : vector<16xi1>, vector<16xf32>
      %reduce_min3A_373 = arith.constant true
      %reduce_min3A_374 = vector.broadcast %reduce_min3A_373 : i1 to vector<16xi1>
      %reduce_min3A_375 = tpu.scan <min>, %select_n3A_372 masked %reduce_min3A_374 : vector<16xf32>, vector<16xi1> -> vector<16xf32>
      %reduce_min3A_376 = vector.extract %reduce_min3A_375[15] : f32 from vector<16xf32>
      %ge3A_377 = arith.constant 13 : i32
      %ge3A_378 = vector.broadcast %ge3A_377 : i32 to vector<16xi32>
      %ge3A_379 = arith.cmpi sge, %iota3A, %ge3A_378 : vector<16xi32>
      %jit3A_380 = arith.constant 0x7F800000 : f32
      %broadcast_in_dim3A_381 = vector.broadcast %jit3A_380 : f32 to vector<16xf32>
      %select_n3A_382 = arith.select %ge3A_379, %sort3A_365, %broadcast_in_dim3A_381 : vector<16xi1>, vector<16xf32>
      %reduce_min3A_383 = arith.constant true
      %reduce_min3A_384 = vector.broadcast %reduce_min3A_383 : i1 to vector<16xi1>
      %reduce_min3A_385 = tpu.scan <min>, %select_n3A_382 masked %reduce_min3A_384 : vector<16xf32>, vector<16xi1> -> vector<16xf32>
      %reduce_min3A_386 = vector.extract %reduce_min3A_385[15] : f32 from vector<16xf32>
      %eq3A_387 = arith.constant 3 : i32
      %eq3A_388 = vector.broadcast %eq3A_387 : i32 to vector<16xi32>
      %eq3A_389 = arith.cmpi eq, %iota3A, %eq3A_388 : vector<16xi32>
      %broadcast_in_dim3A_390 = vector.broadcast %reduce_min3A_376 : f32 to vector<16xf32>
      %select_n3A_391 = arith.select %eq3A_389, %broadcast_in_dim3A_390, %select_n3A_292 : vector<16xi1>, vector<16xf32>
      %broadcast_in_dim3A_392 = vector.broadcast %reduce_min3A_386 : f32 to vector<16xf32>
      %select_n3A_393 = arith.select %eq3A_389, %broadcast_in_dim3A_392, %select_n3A_294 : vector<16xi1>, vector<16xf32>
      %mul3A_394 = arith.constant 16 : i32
      %mul3A_395 = arith.muli %scan3A_10, %mul3A_394 : i32
      %add3A_396 = arith.constant 4 : i32
      %add3A_397 = arith.addi %mul3A_395, %add3A_396 : i32
      %jit3A_398 = arith.constant 128 : i32
      %div3A_399 = arith.divsi %add3A_397, %jit3A_398 : i32
      %sign3A_400 = arith.constant 0 : i32
      %sign3A_401 = arith.cmpi sgt, %add3A_397, %sign3A_400 : i32
      %sign3A_402 = arith.extui %sign3A_401 : i1 to i32
      %sign3A_403 = arith.constant 0 : i32
      %sign3A_404 = arith.cmpi slt, %add3A_397, %sign3A_403 : i32
      %sign3A_405 = arith.extui %sign3A_404 : i1 to i32
      %sign3A_406 = arith.subi %sign3A_402, %sign3A_405 : i32
      %sign3A_407 = arith.constant 0 : i32
      %sign3A_408 = arith.cmpi sgt, %jit3A_398, %sign3A_407 : i32
      %sign3A_409 = arith.extui %sign3A_408 : i1 to i32
      %sign3A_410 = arith.constant 0 : i32
      %sign3A_411 = arith.cmpi slt, %jit3A_398, %sign3A_410 : i32
      %sign3A_412 = arith.extui %sign3A_411 : i1 to i32
      %sign3A_413 = arith.subi %sign3A_409, %sign3A_412 : i32
      %ne3A_414 = arith.cmpi ne, %sign3A_406, %sign3A_413 : i32
      %rem3A_415 = arith.remsi %add3A_397, %jit3A_398 : i32
      %ne3A_416 = arith.constant 0 : i32
      %ne3A_417 = arith.cmpi ne, %rem3A_415, %ne3A_416 : i32
      %and3A_418 = arith.andi %ne3A_414, %ne3A_417 : i1
      %sub3A_419 = arith.constant 1 : i32
      %sub3A_420 = arith.subi %div3A_399, %sub3A_419 : i32
      %select_n3A_421 = arith.select %and3A_418, %sub3A_420, %div3A_399 : i32
      %jit3A_422 = arith.constant 128 : i32
      %eq3A_423 = arith.constant 0 : i32
      %eq3A_424 = arith.cmpi eq, %jit3A_422, %eq3A_423 : i32
      %jit3A_425 = arith.constant 1 : i32
      %select_n3A_426 = arith.select %eq3A_424, %jit3A_425, %jit3A_422 : i32
      %rem3A_427 = arith.remsi %add3A_397, %select_n3A_426 : i32
      %ne3A_428 = arith.constant 0 : i32
      %ne3A_429 = arith.cmpi ne, %rem3A_427, %ne3A_428 : i32
      %lt3A_430 = arith.constant 0 : i32
      %lt3A_431 = arith.cmpi slt, %rem3A_427, %lt3A_430 : i32
      %lt3A_432 = arith.constant 0 : i32
      %lt3A_433 = arith.cmpi slt, %select_n3A_426, %lt3A_432 : i32
      %ne3A_434 = arith.xori %lt3A_431, %lt3A_433 : i1
      %and3A_435 = arith.andi %ne3A_434, %ne3A_429 : i1
      %add3A_436 = arith.addi %rem3A_427, %select_n3A_426 : i32
      %select_n3A_437 = arith.select %and3A_435, %add3A_436, %rem3A_427 : i32
      %mul3A_438 = arith.constant 32 : i32
      %mul3A_439 = arith.muli %select_n3A_437, %mul3A_438 : i32
      %get3A_440 = arith.index_cast %select_n3A_421 : i32 to index
      %get3A_441 = arith.index_cast %mul3A_439 : i32 to index
      %get3A_442 = tpu.vector_load %arg5[%get3A_440, %get3A_441] {strides = array<i32>} : memref<4x4096xf32, #tpu.memory_space<vmem>>, vector<16xf32>,
      %sort3A_443 = arith.constant dense<true> : vector<16xi1>
      %sort3A_444, %sort3A_445, %sort3A_446 = tpu.sort %get3A_442, %get3A_442 masked %sort3A_443 : (vector<16xf32>, vector<16xf32>, vector<16xi1>) -> (vector<16xi1>, vector<16xf32>, vector<16xf32>)
      %add3A_447 = arith.constant 16 : i32
      %add3A_448 = arith.addi %mul3A_439, %add3A_447 : i32
      %get3A_449 = arith.index_cast %select_n3A_421 : i32 to index
      %get3A_450 = arith.index_cast %add3A_448 : i32 to index
      %get3A_451 = tpu.vector_load %arg5[%get3A_449, %get3A_450] {strides = array<i32>} : memref<4x4096xf32, #tpu.memory_space<vmem>>, vector<16xf32>,
      %sort3A_452 = arith.constant dense<true> : vector<16xi1>
      %sort3A_453, %sort3A_454, %sort3A_455 = tpu.sort %get3A_451, %get3A_451 masked %sort3A_452 : (vector<16xf32>, vector<16xf32>, vector<16xi1>) -> (vector<16xi1>, vector<16xf32>, vector<16xf32>)
      %rev3A_456 = arith.constant 15 : i32
      %rev3A_457 = vector.broadcast %rev3A_456 : i32 to vector<16xi32>
      %rev3A_458 = tpu.iota {dimensions = array<i32: 0>} : vector<16xi32>
      %rev3A_459 = arith.subi %rev3A_457, %rev3A_458 : vector<16xi32>
      %rev3A_460 = tpu.dynamic_gather %sort3A_454[%rev3A_459] in [0] : vector<16xf32>, vector<16xi32> -> vector<16xf32>
      %max3A_461 = arith.maximumf %sort3A_445, %rev3A_460 : vector<16xf32>
      %sort3A_462 = arith.constant dense<true> : vector<16xi1>
      %sort3A_463, %sort3A_464, %sort3A_465 = tpu.sort %max3A_461, %max3A_461 masked %sort3A_462 : (vector<16xf32>, vector<16xf32>, vector<16xi1>) -> (vector<16xi1>, vector<16xf32>, vector<16xf32>)
      %ge3A_466 = arith.constant 10 : i32
      %ge3A_467 = vector.broadcast %ge3A_466 : i32 to vector<16xi32>
      %ge3A_468 = arith.cmpi sge, %iota3A, %ge3A_467 : vector<16xi32>
      %jit3A_469 = arith.constant 0x7F800000 : f32
      %broadcast_in_dim3A_470 = vector.broadcast %jit3A_469 : f32 to vector<16xf32>
      %select_n3A_471 = arith.select %ge3A_468, %sort3A_464, %broadcast_in_dim3A_470 : vector<16xi1>, vector<16xf32>
      %reduce_min3A_472 = arith.constant true
      %reduce_min3A_473 = vector.broadcast %reduce_min3A_472 : i1 to vector<16xi1>
      %reduce_min3A_474 = tpu.scan <min>, %select_n3A_471 masked %reduce_min3A_473 : vector<16xf32>, vector<16xi1> -> vector<16xf32>
      %reduce_min3A_475 = vector.extract %reduce_min3A_474[15] : f32 from vector<16xf32>
      %ge3A_476 = arith.constant 13 : i32
      %ge3A_477 = vector.broadcast %ge3A_476 : i32 to vector<16xi32>
      %ge3A_478 = arith.cmpi sge, %iota3A, %ge3A_477 : vector<16xi32>
      %jit3A_479 = arith.constant 0x7F800000 : f32
      %broadcast_in_dim3A_480 = vector.broadcast %jit3A_479 : f32 to vector<16xf32>
      %select_n3A_481 = arith.select %ge3A_478, %sort3A_464, %broadcast_in_dim3A_480 : vector<16xi1>, vector<16xf32>
      %reduce_min3A_482 = arith.constant true
      %reduce_min3A_483 = vector.broadcast %reduce_min3A_482 : i1 to vector<16xi1>
      %reduce_min3A_484 = tpu.scan <min>, %select_n3A_481 masked %reduce_min3A_483 : vector<16xf32>, vector<16xi1> -> vector<16xf32>
      %reduce_min3A_485 = vector.extract %reduce_min3A_484[15] : f32 from vector<16xf32>
      %eq3A_486 = arith.constant 4 : i32
      %eq3A_487 = vector.broadcast %eq3A_486 : i32 to vector<16xi32>
      %eq3A_488 = arith.cmpi eq, %iota3A, %eq3A_487 : vector<16xi32>
      %broadcast_in_dim3A_489 = vector.broadcast %reduce_min3A_475 : f32 to vector<16xf32>
      %select_n3A_490 = arith.select %eq3A_488, %broadcast_in_dim3A_489, %select_n3A_391 : vector<16xi1>, vector<16xf32>
      %broadcast_in_dim3A_491 = vector.broadcast %reduce_min3A_485 : f32 to vector<16xf32>
      %select_n3A_492 = arith.select %eq3A_488, %broadcast_in_dim3A_491, %select_n3A_393 : vector<16xi1>, vector<16xf32>
      %mul3A_493 = arith.constant 16 : i32
      %mul3A_494 = arith.muli %scan3A_10, %mul3A_493 : i32
      %add3A_495 = arith.constant 5 : i32
      %add3A_496 = arith.addi %mul3A_494, %add3A_495 : i32
      %jit3A_497 = arith.constant 128 : i32
      %div3A_498 = arith.divsi %add3A_496, %jit3A_497 : i32
      %sign3A_499 = arith.constant 0 : i32
      %sign3A_500 = arith.cmpi sgt, %add3A_496, %sign3A_499 : i32
      %sign3A_501 = arith.extui %sign3A_500 : i1 to i32
      %sign3A_502 = arith.constant 0 : i32
      %sign3A_503 = arith.cmpi slt, %add3A_496, %sign3A_502 : i32
      %sign3A_504 = arith.extui %sign3A_503 : i1 to i32
      %sign3A_505 = arith.subi %sign3A_501, %sign3A_504 : i32
      %sign3A_506 = arith.constant 0 : i32
      %sign3A_507 = arith.cmpi sgt, %jit3A_497, %sign3A_506 : i32
      %sign3A_508 = arith.extui %sign3A_507 : i1 to i32
      %sign3A_509 = arith.constant 0 : i32
      %sign3A_510 = arith.cmpi slt, %jit3A_497, %sign3A_509 : i32
      %sign3A_511 = arith.extui %sign3A_510 : i1 to i32
      %sign3A_512 = arith.subi %sign3A_508, %sign3A_511 : i32
      %ne3A_513 = arith.cmpi ne, %sign3A_505, %sign3A_512 : i32
      %rem3A_514 = arith.remsi %add3A_496, %jit3A_497 : i32
      %ne3A_515 = arith.constant 0 : i32
      %ne3A_516 = arith.cmpi ne, %rem3A_514, %ne3A_515 : i32
      %and3A_517 = arith.andi %ne3A_513, %ne3A_516 : i1
      %sub3A_518 = arith.constant 1 : i32
      %sub3A_519 = arith.subi %div3A_498, %sub3A_518 : i32
      %select_n3A_520 = arith.select %and3A_517, %sub3A_519, %div3A_498 : i32
      %jit3A_521 = arith.constant 128 : i32
      %eq3A_522 = arith.constant 0 : i32
      %eq3A_523 = arith.cmpi eq, %jit3A_521, %eq3A_522 : i32
      %jit3A_524 = arith.constant 1 : i32
      %select_n3A_525 = arith.select %eq3A_523, %jit3A_524, %jit3A_521 : i32
      %rem3A_526 = arith.remsi %add3A_496, %select_n3A_525 : i32
      %ne3A_527 = arith.constant 0 : i32
      %ne3A_528 = arith.cmpi ne, %rem3A_526, %ne3A_527 : i32
      %lt3A_529 = arith.constant 0 : i32
      %lt3A_530 = arith.cmpi slt, %rem3A_526, %lt3A_529 : i32
      %lt3A_531 = arith.constant 0 : i32
      %lt3A_532 = arith.cmpi slt, %select_n3A_525, %lt3A_531 : i32
      %ne3A_533 = arith.xori %lt3A_530, %lt3A_532 : i1
      %and3A_534 = arith.andi %ne3A_533, %ne3A_528 : i1
      %add3A_535 = arith.addi %rem3A_526, %select_n3A_525 : i32
      %select_n3A_536 = arith.select %and3A_534, %add3A_535, %rem3A_526 : i32
      %mul3A_537 = arith.constant 32 : i32
      %mul3A_538 = arith.muli %select_n3A_536, %mul3A_537 : i32
      %get3A_539 = arith.index_cast %select_n3A_520 : i32 to index
      %get3A_540 = arith.index_cast %mul3A_538 : i32 to index
      %get3A_541 = tpu.vector_load %arg5[%get3A_539, %get3A_540] {strides = array<i32>} : memref<4x4096xf32, #tpu.memory_space<vmem>>, vector<16xf32>,
      %sort3A_542 = arith.constant dense<true> : vector<16xi1>
      %sort3A_543, %sort3A_544, %sort3A_545 = tpu.sort %get3A_541, %get3A_541 masked %sort3A_542 : (vector<16xf32>, vector<16xf32>, vector<16xi1>) -> (vector<16xi1>, vector<16xf32>, vector<16xf32>)
      %add3A_546 = arith.constant 16 : i32
      %add3A_547 = arith.addi %mul3A_538, %add3A_546 : i32
      %get3A_548 = arith.index_cast %select_n3A_520 : i32 to index
      %get3A_549 = arith.index_cast %add3A_547 : i32 to index
      %get3A_550 = tpu.vector_load %arg5[%get3A_548, %get3A_549] {strides = array<i32>} : memref<4x4096xf32, #tpu.memory_space<vmem>>, vector<16xf32>,
      %sort3A_551 = arith.constant dense<true> : vector<16xi1>
      %sort3A_552, %sort3A_553, %sort3A_554 = tpu.sort %get3A_550, %get3A_550 masked %sort3A_551 : (vector<16xf32>, vector<16xf32>, vector<16xi1>) -> (vector<16xi1>, vector<16xf32>, vector<16xf32>)
      %rev3A_555 = arith.constant 15 : i32
      %rev3A_556 = vector.broadcast %rev3A_555 : i32 to vector<16xi32>
      %rev3A_557 = tpu.iota {dimensions = array<i32: 0>} : vector<16xi32>
      %rev3A_558 = arith.subi %rev3A_556, %rev3A_557 : vector<16xi32>
      %rev3A_559 = tpu.dynamic_gather %sort3A_553[%rev3A_558] in [0] : vector<16xf32>, vector<16xi32> -> vector<16xf32>
      %max3A_560 = arith.maximumf %sort3A_544, %rev3A_559 : vector<16xf32>
      %sort3A_561 = arith.constant dense<true> : vector<16xi1>
      %sort3A_562, %sort3A_563, %sort3A_564 = tpu.sort %max3A_560, %max3A_560 masked %sort3A_561 : (vector<16xf32>, vector<16xf32>, vector<16xi1>) -> (vector<16xi1>, vector<16xf32>, vector<16xf32>)
      %ge3A_565 = arith.constant 10 : i32
      %ge3A_566 = vector.broadcast %ge3A_565 : i32 to vector<16xi32>
      %ge3A_567 = arith.cmpi sge, %iota3A, %ge3A_566 : vector<16xi32>
      %jit3A_568 = arith.constant 0x7F800000 : f32
      %broadcast_in_dim3A_569 = vector.broadcast %jit3A_568 : f32 to vector<16xf32>
      %select_n3A_570 = arith.select %ge3A_567, %sort3A_563, %broadcast_in_dim3A_569 : vector<16xi1>, vector<16xf32>
      %reduce_min3A_571 = arith.constant true
      %reduce_min3A_572 = vector.broadcast %reduce_min3A_571 : i1 to vector<16xi1>
      %reduce_min3A_573 = tpu.scan <min>, %select_n3A_570 masked %reduce_min3A_572 : vector<16xf32>, vector<16xi1> -> vector<16xf32>
      %reduce_min3A_574 = vector.extract %reduce_min3A_573[15] : f32 from vector<16xf32>
      %ge3A_575 = arith.constant 13 : i32
      %ge3A_576 = vector.broadcast %ge3A_575 : i32 to vector<16xi32>
      %ge3A_577 = arith.cmpi sge, %iota3A, %ge3A_576 : vector<16xi32>
      %jit3A_578 = arith.constant 0x7F800000 : f32
      %broadcast_in_dim3A_579 = vector.broadcast %jit3A_578 : f32 to vector<16xf32>
      %select_n3A_580 = arith.select %ge3A_577, %sort3A_563, %broadcast_in_dim3A_579 : vector<16xi1>, vector<16xf32>
      %reduce_min3A_581 = arith.constant true
      %reduce_min3A_582 = vector.broadcast %reduce_min3A_581 : i1 to vector<16xi1>
      %reduce_min3A_583 = tpu.scan <min>, %select_n3A_580 masked %reduce_min3A_582 : vector<16xf32>, vector<16xi1> -> vector<16xf32>
      %reduce_min3A_584 = vector.extract %reduce_min3A_583[15] : f32 from vector<16xf32>
      %eq3A_585 = arith.constant 5 : i32
      %eq3A_586 = vector.broadcast %eq3A_585 : i32 to vector<16xi32>
      %eq3A_587 = arith.cmpi eq, %iota3A, %eq3A_586 : vector<16xi32>
      %broadcast_in_dim3A_588 = vector.broadcast %reduce_min3A_574 : f32 to vector<16xf32>
      %select_n3A_589 = arith.select %eq3A_587, %broadcast_in_dim3A_588, %select_n3A_490 : vector<16xi1>, vector<16xf32>
      %broadcast_in_dim3A_590 = vector.broadcast %reduce_min3A_584 : f32 to vector<16xf32>
      %select_n3A_591 = arith.select %eq3A_587, %broadcast_in_dim3A_590, %select_n3A_492 : vector<16xi1>, vector<16xf32>
      %mul3A_592 = arith.constant 16 : i32
      %mul3A_593 = arith.muli %scan3A_10, %mul3A_592 : i32
      %add3A_594 = arith.constant 6 : i32
      %add3A_595 = arith.addi %mul3A_593, %add3A_594 : i32
      %jit3A_596 = arith.constant 128 : i32
      %div3A_597 = arith.divsi %add3A_595, %jit3A_596 : i32
      %sign3A_598 = arith.constant 0 : i32
      %sign3A_599 = arith.cmpi sgt, %add3A_595, %sign3A_598 : i32
      %sign3A_600 = arith.extui %sign3A_599 : i1 to i32
      %sign3A_601 = arith.constant 0 : i32
      %sign3A_602 = arith.cmpi slt, %add3A_595, %sign3A_601 : i32
      %sign3A_603 = arith.extui %sign3A_602 : i1 to i32
      %sign3A_604 = arith.subi %sign3A_600, %sign3A_603 : i32
      %sign3A_605 = arith.constant 0 : i32
      %sign3A_606 = arith.cmpi sgt, %jit3A_596, %sign3A_605 : i32
      %sign3A_607 = arith.extui %sign3A_606 : i1 to i32
      %sign3A_608 = arith.constant 0 : i32
      %sign3A_609 = arith.cmpi slt, %jit3A_596, %sign3A_608 : i32
      %sign3A_610 = arith.extui %sign3A_609 : i1 to i32
      %sign3A_611 = arith.subi %sign3A_607, %sign3A_610 : i32
      %ne3A_612 = arith.cmpi ne, %sign3A_604, %sign3A_611 : i32
      %rem3A_613 = arith.remsi %add3A_595, %jit3A_596 : i32
      %ne3A_614 = arith.constant 0 : i32
      %ne3A_615 = arith.cmpi ne, %rem3A_613, %ne3A_614 : i32
      %and3A_616 = arith.andi %ne3A_612, %ne3A_615 : i1
      %sub3A_617 = arith.constant 1 : i32
      %sub3A_618 = arith.subi %div3A_597, %sub3A_617 : i32
      %select_n3A_619 = arith.select %and3A_616, %sub3A_618, %div3A_597 : i32
      %jit3A_620 = arith.constant 128 : i32
      %eq3A_621 = arith.constant 0 : i32
      %eq3A_622 = arith.cmpi eq, %jit3A_620, %eq3A_621 : i32
      %jit3A_623 = arith.constant 1 : i32
      %select_n3A_624 = arith.select %eq3A_622, %jit3A_623, %jit3A_620 : i32
      %rem3A_625 = arith.remsi %add3A_595, %select_n3A_624 : i32
      %ne3A_626 = arith.constant 0 : i32
      %ne3A_627 = arith.cmpi ne, %rem3A_625, %ne3A_626 : i32
      %lt3A_628 = arith.constant 0 : i32
      %lt3A_629 = arith.cmpi slt, %rem3A_625, %lt3A_628 : i32
      %lt3A_630 = arith.constant 0 : i32
      %lt3A_631 = arith.cmpi slt, %select_n3A_624, %lt3A_630 : i32
      %ne3A_632 = arith.xori %lt3A_629, %lt3A_631 : i1
      %and3A_633 = arith.andi %ne3A_632, %ne3A_627 : i1
      %add3A_634 = arith.addi %rem3A_625, %select_n3A_624 : i32
      %select_n3A_635 = arith.select %and3A_633, %add3A_634, %rem3A_625 : i32
      %mul3A_636 = arith.constant 32 : i32
      %mul3A_637 = arith.muli %select_n3A_635, %mul3A_636 : i32
      %get3A_638 = arith.index_cast %select_n3A_619 : i32 to index
      %get3A_639 = arith.index_cast %mul3A_637 : i32 to index
      %get3A_640 = tpu.vector_load %arg5[%get3A_638, %get3A_639] {strides = array<i32>} : memref<4x4096xf32, #tpu.memory_space<vmem>>, vector<16xf32>,
      %sort3A_641 = arith.constant dense<true> : vector<16xi1>
      %sort3A_642, %sort3A_643, %sort3A_644 = tpu.sort %get3A_640, %get3A_640 masked %sort3A_641 : (vector<16xf32>, vector<16xf32>, vector<16xi1>) -> (vector<16xi1>, vector<16xf32>, vector<16xf32>)
      %add3A_645 = arith.constant 16 : i32
      %add3A_646 = arith.addi %mul3A_637, %add3A_645 : i32
      %get3A_647 = arith.index_cast %select_n3A_619 : i32 to index
      %get3A_648 = arith.index_cast %add3A_646 : i32 to index
      %get3A_649 = tpu.vector_load %arg5[%get3A_647, %get3A_648] {strides = array<i32>} : memref<4x4096xf32, #tpu.memory_space<vmem>>, vector<16xf32>,
      %sort3A_650 = arith.constant dense<true> : vector<16xi1>
      %sort3A_651, %sort3A_652, %sort3A_653 = tpu.sort %get3A_649, %get3A_649 masked %sort3A_650 : (vector<16xf32>, vector<16xf32>, vector<16xi1>) -> (vector<16xi1>, vector<16xf32>, vector<16xf32>)
      %rev3A_654 = arith.constant 15 : i32
      %rev3A_655 = vector.broadcast %rev3A_654 : i32 to vector<16xi32>
      %rev3A_656 = tpu.iota {dimensions = array<i32: 0>} : vector<16xi32>
      %rev3A_657 = arith.subi %rev3A_655, %rev3A_656 : vector<16xi32>
      %rev3A_658 = tpu.dynamic_gather %sort3A_652[%rev3A_657] in [0] : vector<16xf32>, vector<16xi32> -> vector<16xf32>
      %max3A_659 = arith.maximumf %sort3A_643, %rev3A_658 : vector<16xf32>
      %sort3A_660 = arith.constant dense<true> : vector<16xi1>
      %sort3A_661, %sort3A_662, %sort3A_663 = tpu.sort %max3A_659, %max3A_659 masked %sort3A_660 : (vector<16xf32>, vector<16xf32>, vector<16xi1>) -> (vector<16xi1>, vector<16xf32>, vector<16xf32>)
      %ge3A_664 = arith.constant 10 : i32
      %ge3A_665 = vector.broadcast %ge3A_664 : i32 to vector<16xi32>
      %ge3A_666 = arith.cmpi sge, %iota3A, %ge3A_665 : vector<16xi32>
      %jit3A_667 = arith.constant 0x7F800000 : f32
      %broadcast_in_dim3A_668 = vector.broadcast %jit3A_667 : f32 to vector<16xf32>
      %select_n3A_669 = arith.select %ge3A_666, %sort3A_662, %broadcast_in_dim3A_668 : vector<16xi1>, vector<16xf32>
      %reduce_min3A_670 = arith.constant true
      %reduce_min3A_671 = vector.broadcast %reduce_min3A_670 : i1 to vector<16xi1>
      %reduce_min3A_672 = tpu.scan <min>, %select_n3A_669 masked %reduce_min3A_671 : vector<16xf32>, vector<16xi1> -> vector<16xf32>
      %reduce_min3A_673 = vector.extract %reduce_min3A_672[15] : f32 from vector<16xf32>
      %ge3A_674 = arith.constant 13 : i32
      %ge3A_675 = vector.broadcast %ge3A_674 : i32 to vector<16xi32>
      %ge3A_676 = arith.cmpi sge, %iota3A, %ge3A_675 : vector<16xi32>
      %jit3A_677 = arith.constant 0x7F800000 : f32
      %broadcast_in_dim3A_678 = vector.broadcast %jit3A_677 : f32 to vector<16xf32>
      %select_n3A_679 = arith.select %ge3A_676, %sort3A_662, %broadcast_in_dim3A_678 : vector<16xi1>, vector<16xf32>
      %reduce_min3A_680 = arith.constant true
      %reduce_min3A_681 = vector.broadcast %reduce_min3A_680 : i1 to vector<16xi1>
      %reduce_min3A_682 = tpu.scan <min>, %select_n3A_679 masked %reduce_min3A_681 : vector<16xf32>, vector<16xi1> -> vector<16xf32>
      %reduce_min3A_683 = vector.extract %reduce_min3A_682[15] : f32 from vector<16xf32>
      %eq3A_684 = arith.constant 6 : i32
      %eq3A_685 = vector.broadcast %eq3A_684 : i32 to vector<16xi32>
      %eq3A_686 = arith.cmpi eq, %iota3A, %eq3A_685 : vector<16xi32>
      %broadcast_in_dim3A_687 = vector.broadcast %reduce_min3A_673 : f32 to vector<16xf32>
      %select_n3A_688 = arith.select %eq3A_686, %broadcast_in_dim3A_687, %select_n3A_589 : vector<16xi1>, vector<16xf32>
      %broadcast_in_dim3A_689 = vector.broadcast %reduce_min3A_683 : f32 to vector<16xf32>
      %select_n3A_690 = arith.select %eq3A_686, %broadcast_in_dim3A_689, %select_n3A_591 : vector<16xi1>, vector<16xf32>
      %mul3A_691 = arith.constant 16 : i32
      %mul3A_692 = arith.muli %scan3A_10, %mul3A_691 : i32
      %add3A_693 = arith.constant 7 : i32
      %add3A_694 = arith.addi %mul3A_692, %add3A_693 : i32
      %jit3A_695 = arith.constant 128 : i32
      %div3A_696 = arith.divsi %add3A_694, %jit3A_695 : i32
      %sign3A_697 = arith.constant 0 : i32
      %sign3A_698 = arith.cmpi sgt, %add3A_694, %sign3A_697 : i32
      %sign3A_699 = arith.extui %sign3A_698 : i1 to i32
      %sign3A_700 = arith.constant 0 : i32
      %sign3A_701 = arith.cmpi slt, %add3A_694, %sign3A_700 : i32
      %sign3A_702 = arith.extui %sign3A_701 : i1 to i32
      %sign3A_703 = arith.subi %sign3A_699, %sign3A_702 : i32
      %sign3A_704 = arith.constant 0 : i32
      %sign3A_705 = arith.cmpi sgt, %jit3A_695, %sign3A_704 : i32
      %sign3A_706 = arith.extui %sign3A_705 : i1 to i32
      %sign3A_707 = arith.constant 0 : i32
      %sign3A_708 = arith.cmpi slt, %jit3A_695, %sign3A_707 : i32
      %sign3A_709 = arith.extui %sign3A_708 : i1 to i32
      %sign3A_710 = arith.subi %sign3A_706, %sign3A_709 : i32
      %ne3A_711 = arith.cmpi ne, %sign3A_703, %sign3A_710 : i32
      %rem3A_712 = arith.remsi %add3A_694, %jit3A_695 : i32
      %ne3A_713 = arith.constant 0 : i32
      %ne3A_714 = arith.cmpi ne, %rem3A_712, %ne3A_713 : i32
      %and3A_715 = arith.andi %ne3A_711, %ne3A_714 : i1
      %sub3A_716 = arith.constant 1 : i32
      %sub3A_717 = arith.subi %div3A_696, %sub3A_716 : i32
      %select_n3A_718 = arith.select %and3A_715, %sub3A_717, %div3A_696 : i32
      %jit3A_719 = arith.constant 128 : i32
      %eq3A_720 = arith.constant 0 : i32
      %eq3A_721 = arith.cmpi eq, %jit3A_719, %eq3A_720 : i32
      %jit3A_722 = arith.constant 1 : i32
      %select_n3A_723 = arith.select %eq3A_721, %jit3A_722, %jit3A_719 : i32
      %rem3A_724 = arith.remsi %add3A_694, %select_n3A_723 : i32
      %ne3A_725 = arith.constant 0 : i32
      %ne3A_726 = arith.cmpi ne, %rem3A_724, %ne3A_725 : i32
      %lt3A_727 = arith.constant 0 : i32
      %lt3A_728 = arith.cmpi slt, %rem3A_724, %lt3A_727 : i32
      %lt3A_729 = arith.constant 0 : i32
      %lt3A_730 = arith.cmpi slt, %select_n3A_723, %lt3A_729 : i32
      %ne3A_731 = arith.xori %lt3A_728, %lt3A_730 : i1
      %and3A_732 = arith.andi %ne3A_731, %ne3A_726 : i1
      %add3A_733 = arith.addi %rem3A_724, %select_n3A_723 : i32
      %select_n3A_734 = arith.select %and3A_732, %add3A_733, %rem3A_724 : i32
      %mul3A_735 = arith.constant 32 : i32
      %mul3A_736 = arith.muli %select_n3A_734, %mul3A_735 : i32
      %get3A_737 = arith.index_cast %select_n3A_718 : i32 to index
      %get3A_738 = arith.index_cast %mul3A_736 : i32 to index
      %get3A_739 = tpu.vector_load %arg5[%get3A_737, %get3A_738] {strides = array<i32>} : memref<4x4096xf32, #tpu.memory_space<vmem>>, vector<16xf32>,
      %sort3A_740 = arith.constant dense<true> : vector<16xi1>
      %sort3A_741, %sort3A_742, %sort3A_743 = tpu.sort %get3A_739, %get3A_739 masked %sort3A_740 : (vector<16xf32>, vector<16xf32>, vector<16xi1>) -> (vector<16xi1>, vector<16xf32>, vector<16xf32>)
      %add3A_744 = arith.constant 16 : i32
      %add3A_745 = arith.addi %mul3A_736, %add3A_744 : i32
      %get3A_746 = arith.index_cast %select_n3A_718 : i32 to index
      %get3A_747 = arith.index_cast %add3A_745 : i32 to index
      %get3A_748 = tpu.vector_load %arg5[%get3A_746, %get3A_747] {strides = array<i32>} : memref<4x4096xf32, #tpu.memory_space<vmem>>, vector<16xf32>,
      %sort3A_749 = arith.constant dense<true> : vector<16xi1>
      %sort3A_750, %sort3A_751, %sort3A_752 = tpu.sort %get3A_748, %get3A_748 masked %sort3A_749 : (vector<16xf32>, vector<16xf32>, vector<16xi1>) -> (vector<16xi1>, vector<16xf32>, vector<16xf32>)
      %rev3A_753 = arith.constant 15 : i32
      %rev3A_754 = vector.broadcast %rev3A_753 : i32 to vector<16xi32>
      %rev3A_755 = tpu.iota {dimensions = array<i32: 0>} : vector<16xi32>
      %rev3A_756 = arith.subi %rev3A_754, %rev3A_755 : vector<16xi32>
      %rev3A_757 = tpu.dynamic_gather %sort3A_751[%rev3A_756] in [0] : vector<16xf32>, vector<16xi32> -> vector<16xf32>
      %max3A_758 = arith.maximumf %sort3A_742, %rev3A_757 : vector<16xf32>
      %sort3A_759 = arith.constant dense<true> : vector<16xi1>
      %sort3A_760, %sort3A_761, %sort3A_762 = tpu.sort %max3A_758, %max3A_758 masked %sort3A_759 : (vector<16xf32>, vector<16xf32>, vector<16xi1>) -> (vector<16xi1>, vector<16xf32>, vector<16xf32>)
      %ge3A_763 = arith.constant 10 : i32
      %ge3A_764 = vector.broadcast %ge3A_763 : i32 to vector<16xi32>
      %ge3A_765 = arith.cmpi sge, %iota3A, %ge3A_764 : vector<16xi32>
      %jit3A_766 = arith.constant 0x7F800000 : f32
      %broadcast_in_dim3A_767 = vector.broadcast %jit3A_766 : f32 to vector<16xf32>
      %select_n3A_768 = arith.select %ge3A_765, %sort3A_761, %broadcast_in_dim3A_767 : vector<16xi1>, vector<16xf32>
      %reduce_min3A_769 = arith.constant true
      %reduce_min3A_770 = vector.broadcast %reduce_min3A_769 : i1 to vector<16xi1>
      %reduce_min3A_771 = tpu.scan <min>, %select_n3A_768 masked %reduce_min3A_770 : vector<16xf32>, vector<16xi1> -> vector<16xf32>
      %reduce_min3A_772 = vector.extract %reduce_min3A_771[15] : f32 from vector<16xf32>
      %ge3A_773 = arith.constant 13 : i32
      %ge3A_774 = vector.broadcast %ge3A_773 : i32 to vector<16xi32>
      %ge3A_775 = arith.cmpi sge, %iota3A, %ge3A_774 : vector<16xi32>
      %jit3A_776 = arith.constant 0x7F800000 : f32
      %broadcast_in_dim3A_777 = vector.broadcast %jit3A_776 : f32 to vector<16xf32>
      %select_n3A_778 = arith.select %ge3A_775, %sort3A_761, %broadcast_in_dim3A_777 : vector<16xi1>, vector<16xf32>
      %reduce_min3A_779 = arith.constant true
      %reduce_min3A_780 = vector.broadcast %reduce_min3A_779 : i1 to vector<16xi1>
      %reduce_min3A_781 = tpu.scan <min>, %select_n3A_778 masked %reduce_min3A_780 : vector<16xf32>, vector<16xi1> -> vector<16xf32>
      %reduce_min3A_782 = vector.extract %reduce_min3A_781[15] : f32 from vector<16xf32>
      %eq3A_783 = arith.constant 7 : i32
      %eq3A_784 = vector.broadcast %eq3A_783 : i32 to vector<16xi32>
      %eq3A_785 = arith.cmpi eq, %iota3A, %eq3A_784 : vector<16xi32>
      %broadcast_in_dim3A_786 = vector.broadcast %reduce_min3A_772 : f32 to vector<16xf32>
      %select_n3A_787 = arith.select %eq3A_785, %broadcast_in_dim3A_786, %select_n3A_688 : vector<16xi1>, vector<16xf32>
      %broadcast_in_dim3A_788 = vector.broadcast %reduce_min3A_782 : f32 to vector<16xf32>
      %select_n3A_789 = arith.select %eq3A_785, %broadcast_in_dim3A_788, %select_n3A_690 : vector<16xi1>, vector<16xf32>
      %mul3A_790 = arith.constant 16 : i32
      %mul3A_791 = arith.muli %scan3A_10, %mul3A_790 : i32
      %add3A_792 = arith.constant 8 : i32
      %add3A_793 = arith.addi %mul3A_791, %add3A_792 : i32
      %jit3A_794 = arith.constant 128 : i32
      %div3A_795 = arith.divsi %add3A_793, %jit3A_794 : i32
      %sign3A_796 = arith.constant 0 : i32
      %sign3A_797 = arith.cmpi sgt, %add3A_793, %sign3A_796 : i32
      %sign3A_798 = arith.extui %sign3A_797 : i1 to i32
      %sign3A_799 = arith.constant 0 : i32
      %sign3A_800 = arith.cmpi slt, %add3A_793, %sign3A_799 : i32
      %sign3A_801 = arith.extui %sign3A_800 : i1 to i32
      %sign3A_802 = arith.subi %sign3A_798, %sign3A_801 : i32
      %sign3A_803 = arith.constant 0 : i32
      %sign3A_804 = arith.cmpi sgt, %jit3A_794, %sign3A_803 : i32
      %sign3A_805 = arith.extui %sign3A_804 : i1 to i32
      %sign3A_806 = arith.constant 0 : i32
      %sign3A_807 = arith.cmpi slt, %jit3A_794, %sign3A_806 : i32
      %sign3A_808 = arith.extui %sign3A_807 : i1 to i32
      %sign3A_809 = arith.subi %sign3A_805, %sign3A_808 : i32
      %ne3A_810 = arith.cmpi ne, %sign3A_802, %sign3A_809 : i32
      %rem3A_811 = arith.remsi %add3A_793, %jit3A_794 : i32
      %ne3A_812 = arith.constant 0 : i32
      %ne3A_813 = arith.cmpi ne, %rem3A_811, %ne3A_812 : i32
      %and3A_814 = arith.andi %ne3A_810, %ne3A_813 : i1
      %sub3A_815 = arith.constant 1 : i32
      %sub3A_816 = arith.subi %div3A_795, %sub3A_815 : i32
      %select_n3A_817 = arith.select %and3A_814, %sub3A_816, %div3A_795 : i32
      %jit3A_818 = arith.constant 128 : i32
      %eq3A_819 = arith.constant 0 : i32
      %eq3A_820 = arith.cmpi eq, %jit3A_818, %eq3A_819 : i32
      %jit3A_821 = arith.constant 1 : i32
      %select_n3A_822 = arith.select %eq3A_820, %jit3A_821, %jit3A_818 : i32
      %rem3A_823 = arith.remsi %add3A_793, %select_n3A_822 : i32
      %ne3A_824 = arith.constant 0 : i32
      %ne3A_825 = arith.cmpi ne, %rem3A_823, %ne3A_824 : i32
      %lt3A_826 = arith.constant 0 : i32
      %lt3A_827 = arith.cmpi slt, %rem3A_823, %lt3A_826 : i32
      %lt3A_828 = arith.constant 0 : i32
      %lt3A_829 = arith.cmpi slt, %select_n3A_822, %lt3A_828 : i32
      %ne3A_830 = arith.xori %lt3A_827, %lt3A_829 : i1
      %and3A_831 = arith.andi %ne3A_830, %ne3A_825 : i1
      %add3A_832 = arith.addi %rem3A_823, %select_n3A_822 : i32
      %select_n3A_833 = arith.select %and3A_831, %add3A_832, %rem3A_823 : i32
      %mul3A_834 = arith.constant 32 : i32
      %mul3A_835 = arith.muli %select_n3A_833, %mul3A_834 : i32
      %get3A_836 = arith.index_cast %select_n3A_817 : i32 to index
      %get3A_837 = arith.index_cast %mul3A_835 : i32 to index
      %get3A_838 = tpu.vector_load %arg5[%get3A_836, %get3A_837] {strides = array<i32>} : memref<4x4096xf32, #tpu.memory_space<vmem>>, vector<16xf32>,
      %sort3A_839 = arith.constant dense<true> : vector<16xi1>
      %sort3A_840, %sort3A_841, %sort3A_842 = tpu.sort %get3A_838, %get3A_838 masked %sort3A_839 : (vector<16xf32>, vector<16xf32>, vector<16xi1>) -> (vector<16xi1>, vector<16xf32>, vector<16xf32>)
      %add3A_843 = arith.constant 16 : i32
      %add3A_844 = arith.addi %mul3A_835, %add3A_843 : i32
      %get3A_845 = arith.index_cast %select_n3A_817 : i32 to index
      %get3A_846 = arith.index_cast %add3A_844 : i32 to index
      %get3A_847 = tpu.vector_load %arg5[%get3A_845, %get3A_846] {strides = array<i32>} : memref<4x4096xf32, #tpu.memory_space<vmem>>, vector<16xf32>,
      %sort3A_848 = arith.constant dense<true> : vector<16xi1>
      %sort3A_849, %sort3A_850, %sort3A_851 = tpu.sort %get3A_847, %get3A_847 masked %sort3A_848 : (vector<16xf32>, vector<16xf32>, vector<16xi1>) -> (vector<16xi1>, vector<16xf32>, vector<16xf32>)
      %rev3A_852 = arith.constant 15 : i32
      %rev3A_853 = vector.broadcast %rev3A_852 : i32 to vector<16xi32>
      %rev3A_854 = tpu.iota {dimensions = array<i32: 0>} : vector<16xi32>
      %rev3A_855 = arith.subi %rev3A_853, %rev3A_854 : vector<16xi32>
      %rev3A_856 = tpu.dynamic_gather %sort3A_850[%rev3A_855] in [0] : vector<16xf32>, vector<16xi32> -> vector<16xf32>
      %max3A_857 = arith.maximumf %sort3A_841, %rev3A_856 : vector<16xf32>
      %sort3A_858 = arith.constant dense<true> : vector<16xi1>
      %sort3A_859, %sort3A_860, %sort3A_861 = tpu.sort %max3A_857, %max3A_857 masked %sort3A_858 : (vector<16xf32>, vector<16xf32>, vector<16xi1>) -> (vector<16xi1>, vector<16xf32>, vector<16xf32>)
      %ge3A_862 = arith.constant 10 : i32
      %ge3A_863 = vector.broadcast %ge3A_862 : i32 to vector<16xi32>
      %ge3A_864 = arith.cmpi sge, %iota3A, %ge3A_863 : vector<16xi32>
      %jit3A_865 = arith.constant 0x7F800000 : f32
      %broadcast_in_dim3A_866 = vector.broadcast %jit3A_865 : f32 to vector<16xf32>
      %select_n3A_867 = arith.select %ge3A_864, %sort3A_860, %broadcast_in_dim3A_866 : vector<16xi1>, vector<16xf32>
      %reduce_min3A_868 = arith.constant true
      %reduce_min3A_869 = vector.broadcast %reduce_min3A_868 : i1 to vector<16xi1>
      %reduce_min3A_870 = tpu.scan <min>, %select_n3A_867 masked %reduce_min3A_869 : vector<16xf32>, vector<16xi1> -> vector<16xf32>
      %reduce_min3A_871 = vector.extract %reduce_min3A_870[15] : f32 from vector<16xf32>
      %ge3A_872 = arith.constant 13 : i32
      %ge3A_873 = vector.broadcast %ge3A_872 : i32 to vector<16xi32>
      %ge3A_874 = arith.cmpi sge, %iota3A, %ge3A_873 : vector<16xi32>
      %jit3A_875 = arith.constant 0x7F800000 : f32
      %broadcast_in_dim3A_876 = vector.broadcast %jit3A_875 : f32 to vector<16xf32>
      %select_n3A_877 = arith.select %ge3A_874, %sort3A_860, %broadcast_in_dim3A_876 : vector<16xi1>, vector<16xf32>
      %reduce_min3A_878 = arith.constant true
      %reduce_min3A_879 = vector.broadcast %reduce_min3A_878 : i1 to vector<16xi1>
      %reduce_min3A_880 = tpu.scan <min>, %select_n3A_877 masked %reduce_min3A_879 : vector<16xf32>, vector<16xi1> -> vector<16xf32>
      %reduce_min3A_881 = vector.extract %reduce_min3A_880[15] : f32 from vector<16xf32>
      %eq3A_882 = arith.constant 8 : i32
      %eq3A_883 = vector.broadcast %eq3A_882 : i32 to vector<16xi32>
      %eq3A_884 = arith.cmpi eq, %iota3A, %eq3A_883 : vector<16xi32>
      %broadcast_in_dim3A_885 = vector.broadcast %reduce_min3A_871 : f32 to vector<16xf32>
      %select_n3A_886 = arith.select %eq3A_884, %broadcast_in_dim3A_885, %select_n3A_787 : vector<16xi1>, vector<16xf32>
      %broadcast_in_dim3A_887 = vector.broadcast %reduce_min3A_881 : f32 to vector<16xf32>
      %select_n3A_888 = arith.select %eq3A_884, %broadcast_in_dim3A_887, %select_n3A_789 : vector<16xi1>, vector<16xf32>
      %mul3A_889 = arith.constant 16 : i32
      %mul3A_890 = arith.muli %scan3A_10, %mul3A_889 : i32
      %add3A_891 = arith.constant 9 : i32
      %add3A_892 = arith.addi %mul3A_890, %add3A_891 : i32
      %jit3A_893 = arith.constant 128 : i32
      %div3A_894 = arith.divsi %add3A_892, %jit3A_893 : i32
      %sign3A_895 = arith.constant 0 : i32
      %sign3A_896 = arith.cmpi sgt, %add3A_892, %sign3A_895 : i32
      %sign3A_897 = arith.extui %sign3A_896 : i1 to i32
      %sign3A_898 = arith.constant 0 : i32
      %sign3A_899 = arith.cmpi slt, %add3A_892, %sign3A_898 : i32
      %sign3A_900 = arith.extui %sign3A_899 : i1 to i32
      %sign3A_901 = arith.subi %sign3A_897, %sign3A_900 : i32
      %sign3A_902 = arith.constant 0 : i32
      %sign3A_903 = arith.cmpi sgt, %jit3A_893, %sign3A_902 : i32
      %sign3A_904 = arith.extui %sign3A_903 : i1 to i32
      %sign3A_905 = arith.constant 0 : i32
      %sign3A_906 = arith.cmpi slt, %jit3A_893, %sign3A_905 : i32
      %sign3A_907 = arith.extui %sign3A_906 : i1 to i32
      %sign3A_908 = arith.subi %sign3A_904, %sign3A_907 : i32
      %ne3A_909 = arith.cmpi ne, %sign3A_901, %sign3A_908 : i32
      %rem3A_910 = arith.remsi %add3A_892, %jit3A_893 : i32
      %ne3A_911 = arith.constant 0 : i32
      %ne3A_912 = arith.cmpi ne, %rem3A_910, %ne3A_911 : i32
      %and3A_913 = arith.andi %ne3A_909, %ne3A_912 : i1
      %sub3A_914 = arith.constant 1 : i32
      %sub3A_915 = arith.subi %div3A_894, %sub3A_914 : i32
      %select_n3A_916 = arith.select %and3A_913, %sub3A_915, %div3A_894 : i32
      %jit3A_917 = arith.constant 128 : i32
      %eq3A_918 = arith.constant 0 : i32
      %eq3A_919 = arith.cmpi eq, %jit3A_917, %eq3A_918 : i32
      %jit3A_920 = arith.constant 1 : i32
      %select_n3A_921 = arith.select %eq3A_919, %jit3A_920, %jit3A_917 : i32
      %rem3A_922 = arith.remsi %add3A_892, %select_n3A_921 : i32
      %ne3A_923 = arith.constant 0 : i32
      %ne3A_924 = arith.cmpi ne, %rem3A_922, %ne3A_923 : i32
      %lt3A_925 = arith.constant 0 : i32
      %lt3A_926 = arith.cmpi slt, %rem3A_922, %lt3A_925 : i32
      %lt3A_927 = arith.constant 0 : i32
      %lt3A_928 = arith.cmpi slt, %select_n3A_921, %lt3A_927 : i32
      %ne3A_929 = arith.xori %lt3A_926, %lt3A_928 : i1
      %and3A_930 = arith.andi %ne3A_929, %ne3A_924 : i1
      %add3A_931 = arith.addi %rem3A_922, %select_n3A_921 : i32
      %select_n3A_932 = arith.select %and3A_930, %add3A_931, %rem3A_922 : i32
      %mul3A_933 = arith.constant 32 : i32
      %mul3A_934 = arith.muli %select_n3A_932, %mul3A_933 : i32
      %get3A_935 = arith.index_cast %select_n3A_916 : i32 to index
      %get3A_936 = arith.index_cast %mul3A_934 : i32 to index
      %get3A_937 = tpu.vector_load %arg5[%get3A_935, %get3A_936] {strides = array<i32>} : memref<4x4096xf32, #tpu.memory_space<vmem>>, vector<16xf32>,
      %sort3A_938 = arith.constant dense<true> : vector<16xi1>
      %sort3A_939, %sort3A_940, %sort3A_941 = tpu.sort %get3A_937, %get3A_937 masked %sort3A_938 : (vector<16xf32>, vector<16xf32>, vector<16xi1>) -> (vector<16xi1>, vector<16xf32>, vector<16xf32>)
      %add3A_942 = arith.constant 16 : i32
      %add3A_943 = arith.addi %mul3A_934, %add3A_942 : i32
      %get3A_944 = arith.index_cast %select_n3A_916 : i32 to index
      %get3A_945 = arith.index_cast %add3A_943 : i32 to index
      %get3A_946 = tpu.vector_load %arg5[%get3A_944, %get3A_945] {strides = array<i32>} : memref<4x4096xf32, #tpu.memory_space<vmem>>, vector<16xf32>,
      %sort3A_947 = arith.constant dense<true> : vector<16xi1>
      %sort3A_948, %sort3A_949, %sort3A_950 = tpu.sort %get3A_946, %get3A_946 masked %sort3A_947 : (vector<16xf32>, vector<16xf32>, vector<16xi1>) -> (vector<16xi1>, vector<16xf32>, vector<16xf32>)
      %rev3A_951 = arith.constant 15 : i32
      %rev3A_952 = vector.broadcast %rev3A_951 : i32 to vector<16xi32>
      %rev3A_953 = tpu.iota {dimensions = array<i32: 0>} : vector<16xi32>
      %rev3A_954 = arith.subi %rev3A_952, %rev3A_953 : vector<16xi32>
      %rev3A_955 = tpu.dynamic_gather %sort3A_949[%rev3A_954] in [0] : vector<16xf32>, vector<16xi32> -> vector<16xf32>
      %max3A_956 = arith.maximumf %sort3A_940, %rev3A_955 : vector<16xf32>
      %sort3A_957 = arith.constant dense<true> : vector<16xi1>
      %sort3A_958, %sort3A_959, %sort3A_960 = tpu.sort %max3A_956, %max3A_956 masked %sort3A_957 : (vector<16xf32>, vector<16xf32>, vector<16xi1>) -> (vector<16xi1>, vector<16xf32>, vector<16xf32>)
      %ge3A_961 = arith.constant 10 : i32
      %ge3A_962 = vector.broadcast %ge3A_961 : i32 to vector<16xi32>
      %ge3A_963 = arith.cmpi sge, %iota3A, %ge3A_962 : vector<16xi32>
      %jit3A_964 = arith.constant 0x7F800000 : f32
      %broadcast_in_dim3A_965 = vector.broadcast %jit3A_964 : f32 to vector<16xf32>
      %select_n3A_966 = arith.select %ge3A_963, %sort3A_959, %broadcast_in_dim3A_965 : vector<16xi1>, vector<16xf32>
      %reduce_min3A_967 = arith.constant true
      %reduce_min3A_968 = vector.broadcast %reduce_min3A_967 : i1 to vector<16xi1>
      %reduce_min3A_969 = tpu.scan <min>, %select_n3A_966 masked %reduce_min3A_968 : vector<16xf32>, vector<16xi1> -> vector<16xf32>
      %reduce_min3A_970 = vector.extract %reduce_min3A_969[15] : f32 from vector<16xf32>
      %ge3A_971 = arith.constant 13 : i32
      %ge3A_972 = vector.broadcast %ge3A_971 : i32 to vector<16xi32>
      %ge3A_973 = arith.cmpi sge, %iota3A, %ge3A_972 : vector<16xi32>
      %jit3A_974 = arith.constant 0x7F800000 : f32
      %broadcast_in_dim3A_975 = vector.broadcast %jit3A_974 : f32 to vector<16xf32>
      %select_n3A_976 = arith.select %ge3A_973, %sort3A_959, %broadcast_in_dim3A_975 : vector<16xi1>, vector<16xf32>
      %reduce_min3A_977 = arith.constant true
      %reduce_min3A_978 = vector.broadcast %reduce_min3A_977 : i1 to vector<16xi1>
      %reduce_min3A_979 = tpu.scan <min>, %select_n3A_976 masked %reduce_min3A_978 : vector<16xf32>, vector<16xi1> -> vector<16xf32>
      %reduce_min3A_980 = vector.extract %reduce_min3A_979[15] : f32 from vector<16xf32>
      %eq3A_981 = arith.constant 9 : i32
      %eq3A_982 = vector.broadcast %eq3A_981 : i32 to vector<16xi32>
      %eq3A_983 = arith.cmpi eq, %iota3A, %eq3A_982 : vector<16xi32>
      %broadcast_in_dim3A_984 = vector.broadcast %reduce_min3A_970 : f32 to vector<16xf32>
      %select_n3A_985 = arith.select %eq3A_983, %broadcast_in_dim3A_984, %select_n3A_886 : vector<16xi1>, vector<16xf32>
      %broadcast_in_dim3A_986 = vector.broadcast %reduce_min3A_980 : f32 to vector<16xf32>
      %select_n3A_987 = arith.select %eq3A_983, %broadcast_in_dim3A_986, %select_n3A_888 : vector<16xi1>, vector<16xf32>
      %mul3A_988 = arith.constant 16 : i32
      %mul3A_989 = arith.muli %scan3A_10, %mul3A_988 : i32
      %add3A_990 = arith.constant 10 : i32
      %add3A_991 = arith.addi %mul3A_989, %add3A_990 : i32
      %jit3A_992 = arith.constant 128 : i32
      %div3A_993 = arith.divsi %add3A_991, %jit3A_992 : i32
      %sign3A_994 = arith.constant 0 : i32
      %sign3A_995 = arith.cmpi sgt, %add3A_991, %sign3A_994 : i32
      %sign3A_996 = arith.extui %sign3A_995 : i1 to i32
      %sign3A_997 = arith.constant 0 : i32
      %sign3A_998 = arith.cmpi slt, %add3A_991, %sign3A_997 : i32
      %sign3A_999 = arith.extui %sign3A_998 : i1 to i32
      %sign3A_1000 = arith.subi %sign3A_996, %sign3A_999 : i32
      %sign3A_1001 = arith.constant 0 : i32
      %sign3A_1002 = arith.cmpi sgt, %jit3A_992, %sign3A_1001 : i32
      %sign3A_1003 = arith.extui %sign3A_1002 : i1 to i32
      %sign3A_1004 = arith.constant 0 : i32
      %sign3A_1005 = arith.cmpi slt, %jit3A_992, %sign3A_1004 : i32
      %sign3A_1006 = arith.extui %sign3A_1005 : i1 to i32
      %sign3A_1007 = arith.subi %sign3A_1003, %sign3A_1006 : i32
      %ne3A_1008 = arith.cmpi ne, %sign3A_1000, %sign3A_1007 : i32
      %rem3A_1009 = arith.remsi %add3A_991, %jit3A_992 : i32
      %ne3A_1010 = arith.constant 0 : i32
      %ne3A_1011 = arith.cmpi ne, %rem3A_1009, %ne3A_1010 : i32
      %and3A_1012 = arith.andi %ne3A_1008, %ne3A_1011 : i1
      %sub3A_1013 = arith.constant 1 : i32
      %sub3A_1014 = arith.subi %div3A_993, %sub3A_1013 : i32
      %select_n3A_1015 = arith.select %and3A_1012, %sub3A_1014, %div3A_993 : i32
      %jit3A_1016 = arith.constant 128 : i32
      %eq3A_1017 = arith.constant 0 : i32
      %eq3A_1018 = arith.cmpi eq, %jit3A_1016, %eq3A_1017 : i32
      %jit3A_1019 = arith.constant 1 : i32
      %select_n3A_1020 = arith.select %eq3A_1018, %jit3A_1019, %jit3A_1016 : i32
      %rem3A_1021 = arith.remsi %add3A_991, %select_n3A_1020 : i32
      %ne3A_1022 = arith.constant 0 : i32
      %ne3A_1023 = arith.cmpi ne, %rem3A_1021, %ne3A_1022 : i32
      %lt3A_1024 = arith.constant 0 : i32
      %lt3A_1025 = arith.cmpi slt, %rem3A_1021, %lt3A_1024 : i32
      %lt3A_1026 = arith.constant 0 : i32
      %lt3A_1027 = arith.cmpi slt, %select_n3A_1020, %lt3A_1026 : i32
      %ne3A_1028 = arith.xori %lt3A_1025, %lt3A_1027 : i1
      %and3A_1029 = arith.andi %ne3A_1028, %ne3A_1023 : i1
      %add3A_1030 = arith.addi %rem3A_1021, %select_n3A_1020 : i32
      %select_n3A_1031 = arith.select %and3A_1029, %add3A_1030, %rem3A_1021 : i32
      %mul3A_1032 = arith.constant 32 : i32
      %mul3A_1033 = arith.muli %select_n3A_1031, %mul3A_1032 : i32
      %get3A_1034 = arith.index_cast %select_n3A_1015 : i32 to index
      %get3A_1035 = arith.index_cast %mul3A_1033 : i32 to index
      %get3A_1036 = tpu.vector_load %arg5[%get3A_1034, %get3A_1035] {strides = array<i32>} : memref<4x4096xf32, #tpu.memory_space<vmem>>, vector<16xf32>,
      %sort3A_1037 = arith.constant dense<true> : vector<16xi1>
      %sort3A_1038, %sort3A_1039, %sort3A_1040 = tpu.sort %get3A_1036, %get3A_1036 masked %sort3A_1037 : (vector<16xf32>, vector<16xf32>, vector<16xi1>) -> (vector<16xi1>, vector<16xf32>, vector<16xf32>)
      %add3A_1041 = arith.constant 16 : i32
      %add3A_1042 = arith.addi %mul3A_1033, %add3A_1041 : i32
      %get3A_1043 = arith.index_cast %select_n3A_1015 : i32 to index
      %get3A_1044 = arith.index_cast %add3A_1042 : i32 to index
      %get3A_1045 = tpu.vector_load %arg5[%get3A_1043, %get3A_1044] {strides = array<i32>} : memref<4x4096xf32, #tpu.memory_space<vmem>>, vector<16xf32>,
      %sort3A_1046 = arith.constant dense<true> : vector<16xi1>
      %sort3A_1047, %sort3A_1048, %sort3A_1049 = tpu.sort %get3A_1045, %get3A_1045 masked %sort3A_1046 : (vector<16xf32>, vector<16xf32>, vector<16xi1>) -> (vector<16xi1>, vector<16xf32>, vector<16xf32>)
      %rev3A_1050 = arith.constant 15 : i32
      %rev3A_1051 = vector.broadcast %rev3A_1050 : i32 to vector<16xi32>
      %rev3A_1052 = tpu.iota {dimensions = array<i32: 0>} : vector<16xi32>
      %rev3A_1053 = arith.subi %rev3A_1051, %rev3A_1052 : vector<16xi32>
      %rev3A_1054 = tpu.dynamic_gather %sort3A_1048[%rev3A_1053] in [0] : vector<16xf32>, vector<16xi32> -> vector<16xf32>
      %max3A_1055 = arith.maximumf %sort3A_1039, %rev3A_1054 : vector<16xf32>
      %sort3A_1056 = arith.constant dense<true> : vector<16xi1>
      %sort3A_1057, %sort3A_1058, %sort3A_1059 = tpu.sort %max3A_1055, %max3A_1055 masked %sort3A_1056 : (vector<16xf32>, vector<16xf32>, vector<16xi1>) -> (vector<16xi1>, vector<16xf32>, vector<16xf32>)
      %ge3A_1060 = arith.constant 10 : i32
      %ge3A_1061 = vector.broadcast %ge3A_1060 : i32 to vector<16xi32>
      %ge3A_1062 = arith.cmpi sge, %iota3A, %ge3A_1061 : vector<16xi32>
      %jit3A_1063 = arith.constant 0x7F800000 : f32
      %broadcast_in_dim3A_1064 = vector.broadcast %jit3A_1063 : f32 to vector<16xf32>
      %select_n3A_1065 = arith.select %ge3A_1062, %sort3A_1058, %broadcast_in_dim3A_1064 : vector<16xi1>, vector<16xf32>
      %reduce_min3A_1066 = arith.constant true
      %reduce_min3A_1067 = vector.broadcast %reduce_min3A_1066 : i1 to vector<16xi1>
      %reduce_min3A_1068 = tpu.scan <min>, %select_n3A_1065 masked %reduce_min3A_1067 : vector<16xf32>, vector<16xi1> -> vector<16xf32>
      %reduce_min3A_1069 = vector.extract %reduce_min3A_1068[15] : f32 from vector<16xf32>
      %ge3A_1070 = arith.constant 13 : i32
      %ge3A_1071 = vector.broadcast %ge3A_1070 : i32 to vector<16xi32>
      %ge3A_1072 = arith.cmpi sge, %iota3A, %ge3A_1071 : vector<16xi32>
      %jit3A_1073 = arith.constant 0x7F800000 : f32
      %broadcast_in_dim3A_1074 = vector.broadcast %jit3A_1073 : f32 to vector<16xf32>
      %select_n3A_1075 = arith.select %ge3A_1072, %sort3A_1058, %broadcast_in_dim3A_1074 : vector<16xi1>, vector<16xf32>
      %reduce_min3A_1076 = arith.constant true
      %reduce_min3A_1077 = vector.broadcast %reduce_min3A_1076 : i1 to vector<16xi1>
      %reduce_min3A_1078 = tpu.scan <min>, %select_n3A_1075 masked %reduce_min3A_1077 : vector<16xf32>, vector<16xi1> -> vector<16xf32>
      %reduce_min3A_1079 = vector.extract %reduce_min3A_1078[15] : f32 from vector<16xf32>
      %eq3A_1080 = arith.constant 10 : i32
      %eq3A_1081 = vector.broadcast %eq3A_1080 : i32 to vector<16xi32>
      %eq3A_1082 = arith.cmpi eq, %iota3A, %eq3A_1081 : vector<16xi32>
      %broadcast_in_dim3A_1083 = vector.broadcast %reduce_min3A_1069 : f32 to vector<16xf32>
      %select_n3A_1084 = arith.select %eq3A_1082, %broadcast_in_dim3A_1083, %select_n3A_985 : vector<16xi1>, vector<16xf32>
      %broadcast_in_dim3A_1085 = vector.broadcast %reduce_min3A_1079 : f32 to vector<16xf32>
      %select_n3A_1086 = arith.select %eq3A_1082, %broadcast_in_dim3A_1085, %select_n3A_987 : vector<16xi1>, vector<16xf32>
      %mul3A_1087 = arith.constant 16 : i32
      %mul3A_1088 = arith.muli %scan3A_10, %mul3A_1087 : i32
      %add3A_1089 = arith.constant 11 : i32
      %add3A_1090 = arith.addi %mul3A_1088, %add3A_1089 : i32
      %jit3A_1091 = arith.constant 128 : i32
      %div3A_1092 = arith.divsi %add3A_1090, %jit3A_1091 : i32
      %sign3A_1093 = arith.constant 0 : i32
      %sign3A_1094 = arith.cmpi sgt, %add3A_1090, %sign3A_1093 : i32
      %sign3A_1095 = arith.extui %sign3A_1094 : i1 to i32
      %sign3A_1096 = arith.constant 0 : i32
      %sign3A_1097 = arith.cmpi slt, %add3A_1090, %sign3A_1096 : i32
      %sign3A_1098 = arith.extui %sign3A_1097 : i1 to i32
      %sign3A_1099 = arith.subi %sign3A_1095, %sign3A_1098 : i32
      %sign3A_1100 = arith.constant 0 : i32
      %sign3A_1101 = arith.cmpi sgt, %jit3A_1091, %sign3A_1100 : i32
      %sign3A_1102 = arith.extui %sign3A_1101 : i1 to i32
      %sign3A_1103 = arith.constant 0 : i32
      %sign3A_1104 = arith.cmpi slt, %jit3A_1091, %sign3A_1103 : i32
      %sign3A_1105 = arith.extui %sign3A_1104 : i1 to i32
      %sign3A_1106 = arith.subi %sign3A_1102, %sign3A_1105 : i32
      %ne3A_1107 = arith.cmpi ne, %sign3A_1099, %sign3A_1106 : i32
      %rem3A_1108 = arith.remsi %add3A_1090, %jit3A_1091 : i32
      %ne3A_1109 = arith.constant 0 : i32
      %ne3A_1110 = arith.cmpi ne, %rem3A_1108, %ne3A_1109 : i32
      %and3A_1111 = arith.andi %ne3A_1107, %ne3A_1110 : i1
      %sub3A_1112 = arith.constant 1 : i32
      %sub3A_1113 = arith.subi %div3A_1092, %sub3A_1112 : i32
      %select_n3A_1114 = arith.select %and3A_1111, %sub3A_1113, %div3A_1092 : i32
      %jit3A_1115 = arith.constant 128 : i32
      %eq3A_1116 = arith.constant 0 : i32
      %eq3A_1117 = arith.cmpi eq, %jit3A_1115, %eq3A_1116 : i32
      %jit3A_1118 = arith.constant 1 : i32
      %select_n3A_1119 = arith.select %eq3A_1117, %jit3A_1118, %jit3A_1115 : i32
      %rem3A_1120 = arith.remsi %add3A_1090, %select_n3A_1119 : i32
      %ne3A_1121 = arith.constant 0 : i32
      %ne3A_1122 = arith.cmpi ne, %rem3A_1120, %ne3A_1121 : i32
      %lt3A_1123 = arith.constant 0 : i32
      %lt3A_1124 = arith.cmpi slt, %rem3A_1120, %lt3A_1123 : i32
      %lt3A_1125 = arith.constant 0 : i32
      %lt3A_1126 = arith.cmpi slt, %select_n3A_1119, %lt3A_1125 : i32
      %ne3A_1127 = arith.xori %lt3A_1124, %lt3A_1126 : i1
      %and3A_1128 = arith.andi %ne3A_1127, %ne3A_1122 : i1
      %add3A_1129 = arith.addi %rem3A_1120, %select_n3A_1119 : i32
      %select_n3A_1130 = arith.select %and3A_1128, %add3A_1129, %rem3A_1120 : i32
      %mul3A_1131 = arith.constant 32 : i32
      %mul3A_1132 = arith.muli %select_n3A_1130, %mul3A_1131 : i32
      %get3A_1133 = arith.index_cast %select_n3A_1114 : i32 to index
      %get3A_1134 = arith.index_cast %mul3A_1132 : i32 to index
      %get3A_1135 = tpu.vector_load %arg5[%get3A_1133, %get3A_1134] {strides = array<i32>} : memref<4x4096xf32, #tpu.memory_space<vmem>>, vector<16xf32>,
      %sort3A_1136 = arith.constant dense<true> : vector<16xi1>
      %sort3A_1137, %sort3A_1138, %sort3A_1139 = tpu.sort %get3A_1135, %get3A_1135 masked %sort3A_1136 : (vector<16xf32>, vector<16xf32>, vector<16xi1>) -> (vector<16xi1>, vector<16xf32>, vector<16xf32>)
      %add3A_1140 = arith.constant 16 : i32
      %add3A_1141 = arith.addi %mul3A_1132, %add3A_1140 : i32
      %get3A_1142 = arith.index_cast %select_n3A_1114 : i32 to index
      %get3A_1143 = arith.index_cast %add3A_1141 : i32 to index
      %get3A_1144 = tpu.vector_load %arg5[%get3A_1142, %get3A_1143] {strides = array<i32>} : memref<4x4096xf32, #tpu.memory_space<vmem>>, vector<16xf32>,
      %sort3A_1145 = arith.constant dense<true> : vector<16xi1>
      %sort3A_1146, %sort3A_1147, %sort3A_1148 = tpu.sort %get3A_1144, %get3A_1144 masked %sort3A_1145 : (vector<16xf32>, vector<16xf32>, vector<16xi1>) -> (vector<16xi1>, vector<16xf32>, vector<16xf32>)
      %rev3A_1149 = arith.constant 15 : i32
      %rev3A_1150 = vector.broadcast %rev3A_1149 : i32 to vector<16xi32>
      %rev3A_1151 = tpu.iota {dimensions = array<i32: 0>} : vector<16xi32>
      %rev3A_1152 = arith.subi %rev3A_1150, %rev3A_1151 : vector<16xi32>
      %rev3A_1153 = tpu.dynamic_gather %sort3A_1147[%rev3A_1152] in [0] : vector<16xf32>, vector<16xi32> -> vector<16xf32>
      %max3A_1154 = arith.maximumf %sort3A_1138, %rev3A_1153 : vector<16xf32>
      %sort3A_1155 = arith.constant dense<true> : vector<16xi1>
      %sort3A_1156, %sort3A_1157, %sort3A_1158 = tpu.sort %max3A_1154, %max3A_1154 masked %sort3A_1155 : (vector<16xf32>, vector<16xf32>, vector<16xi1>) -> (vector<16xi1>, vector<16xf32>, vector<16xf32>)
      %ge3A_1159 = arith.constant 10 : i32
      %ge3A_1160 = vector.broadcast %ge3A_1159 : i32 to vector<16xi32>
      %ge3A_1161 = arith.cmpi sge, %iota3A, %ge3A_1160 : vector<16xi32>
      %jit3A_1162 = arith.constant 0x7F800000 : f32
      %broadcast_in_dim3A_1163 = vector.broadcast %jit3A_1162 : f32 to vector<16xf32>
      %select_n3A_1164 = arith.select %ge3A_1161, %sort3A_1157, %broadcast_in_dim3A_1163 : vector<16xi1>, vector<16xf32>
      %reduce_min3A_1165 = arith.constant true
      %reduce_min3A_1166 = vector.broadcast %reduce_min3A_1165 : i1 to vector<16xi1>
      %reduce_min3A_1167 = tpu.scan <min>, %select_n3A_1164 masked %reduce_min3A_1166 : vector<16xf32>, vector<16xi1> -> vector<16xf32>
      %reduce_min3A_1168 = vector.extract %reduce_min3A_1167[15] : f32 from vector<16xf32>
      %ge3A_1169 = arith.constant 13 : i32
      %ge3A_1170 = vector.broadcast %ge3A_1169 : i32 to vector<16xi32>
      %ge3A_1171 = arith.cmpi sge, %iota3A, %ge3A_1170 : vector<16xi32>
      %jit3A_1172 = arith.constant 0x7F800000 : f32
      %broadcast_in_dim3A_1173 = vector.broadcast %jit3A_1172 : f32 to vector<16xf32>
      %select_n3A_1174 = arith.select %ge3A_1171, %sort3A_1157, %broadcast_in_dim3A_1173 : vector<16xi1>, vector<16xf32>
      %reduce_min3A_1175 = arith.constant true
      %reduce_min3A_1176 = vector.broadcast %reduce_min3A_1175 : i1 to vector<16xi1>
      %reduce_min3A_1177 = tpu.scan <min>, %select_n3A_1174 masked %reduce_min3A_1176 : vector<16xf32>, vector<16xi1> -> vector<16xf32>
      %reduce_min3A_1178 = vector.extract %reduce_min3A_1177[15] : f32 from vector<16xf32>
      %eq3A_1179 = arith.constant 11 : i32
      %eq3A_1180 = vector.broadcast %eq3A_1179 : i32 to vector<16xi32>
      %eq3A_1181 = arith.cmpi eq, %iota3A, %eq3A_1180 : vector<16xi32>
      %broadcast_in_dim3A_1182 = vector.broadcast %reduce_min3A_1168 : f32 to vector<16xf32>
      %select_n3A_1183 = arith.select %eq3A_1181, %broadcast_in_dim3A_1182, %select_n3A_1084 : vector<16xi1>, vector<16xf32>
      %broadcast_in_dim3A_1184 = vector.broadcast %reduce_min3A_1178 : f32 to vector<16xf32>
      %select_n3A_1185 = arith.select %eq3A_1181, %broadcast_in_dim3A_1184, %select_n3A_1086 : vector<16xi1>, vector<16xf32>
      %mul3A_1186 = arith.constant 16 : i32
      %mul3A_1187 = arith.muli %scan3A_10, %mul3A_1186 : i32
      %add3A_1188 = arith.constant 12 : i32
      %add3A_1189 = arith.addi %mul3A_1187, %add3A_1188 : i32
      %jit3A_1190 = arith.constant 128 : i32
      %div3A_1191 = arith.divsi %add3A_1189, %jit3A_1190 : i32
      %sign3A_1192 = arith.constant 0 : i32
      %sign3A_1193 = arith.cmpi sgt, %add3A_1189, %sign3A_1192 : i32
      %sign3A_1194 = arith.extui %sign3A_1193 : i1 to i32
      %sign3A_1195 = arith.constant 0 : i32
      %sign3A_1196 = arith.cmpi slt, %add3A_1189, %sign3A_1195 : i32
      %sign3A_1197 = arith.extui %sign3A_1196 : i1 to i32
      %sign3A_1198 = arith.subi %sign3A_1194, %sign3A_1197 : i32
      %sign3A_1199 = arith.constant 0 : i32
      %sign3A_1200 = arith.cmpi sgt, %jit3A_1190, %sign3A_1199 : i32
      %sign3A_1201 = arith.extui %sign3A_1200 : i1 to i32
      %sign3A_1202 = arith.constant 0 : i32
      %sign3A_1203 = arith.cmpi slt, %jit3A_1190, %sign3A_1202 : i32
      %sign3A_1204 = arith.extui %sign3A_1203 : i1 to i32
      %sign3A_1205 = arith.subi %sign3A_1201, %sign3A_1204 : i32
      %ne3A_1206 = arith.cmpi ne, %sign3A_1198, %sign3A_1205 : i32
      %rem3A_1207 = arith.remsi %add3A_1189, %jit3A_1190 : i32
      %ne3A_1208 = arith.constant 0 : i32
      %ne3A_1209 = arith.cmpi ne, %rem3A_1207, %ne3A_1208 : i32
      %and3A_1210 = arith.andi %ne3A_1206, %ne3A_1209 : i1
      %sub3A_1211 = arith.constant 1 : i32
      %sub3A_1212 = arith.subi %div3A_1191, %sub3A_1211 : i32
      %select_n3A_1213 = arith.select %and3A_1210, %sub3A_1212, %div3A_1191 : i32
      %jit3A_1214 = arith.constant 128 : i32
      %eq3A_1215 = arith.constant 0 : i32
      %eq3A_1216 = arith.cmpi eq, %jit3A_1214, %eq3A_1215 : i32
      %jit3A_1217 = arith.constant 1 : i32
      %select_n3A_1218 = arith.select %eq3A_1216, %jit3A_1217, %jit3A_1214 : i32
      %rem3A_1219 = arith.remsi %add3A_1189, %select_n3A_1218 : i32
      %ne3A_1220 = arith.constant 0 : i32
      %ne3A_1221 = arith.cmpi ne, %rem3A_1219, %ne3A_1220 : i32
      %lt3A_1222 = arith.constant 0 : i32
      %lt3A_1223 = arith.cmpi slt, %rem3A_1219, %lt3A_1222 : i32
      %lt3A_1224 = arith.constant 0 : i32
      %lt3A_1225 = arith.cmpi slt, %select_n3A_1218, %lt3A_1224 : i32
      %ne3A_1226 = arith.xori %lt3A_1223, %lt3A_1225 : i1
      %and3A_1227 = arith.andi %ne3A_1226, %ne3A_1221 : i1
      %add3A_1228 = arith.addi %rem3A_1219, %select_n3A_1218 : i32
      %select_n3A_1229 = arith.select %and3A_1227, %add3A_1228, %rem3A_1219 : i32
      %mul3A_1230 = arith.constant 32 : i32
      %mul3A_1231 = arith.muli %select_n3A_1229, %mul3A_1230 : i32
      %get3A_1232 = arith.index_cast %select_n3A_1213 : i32 to index
      %get3A_1233 = arith.index_cast %mul3A_1231 : i32 to index
      %get3A_1234 = tpu.vector_load %arg5[%get3A_1232, %get3A_1233] {strides = array<i32>} : memref<4x4096xf32, #tpu.memory_space<vmem>>, vector<16xf32>,
      %sort3A_1235 = arith.constant dense<true> : vector<16xi1>
      %sort3A_1236, %sort3A_1237, %sort3A_1238 = tpu.sort %get3A_1234, %get3A_1234 masked %sort3A_1235 : (vector<16xf32>, vector<16xf32>, vector<16xi1>) -> (vector<16xi1>, vector<16xf32>, vector<16xf32>)
      %add3A_1239 = arith.constant 16 : i32
      %add3A_1240 = arith.addi %mul3A_1231, %add3A_1239 : i32
      %get3A_1241 = arith.index_cast %select_n3A_1213 : i32 to index
      %get3A_1242 = arith.index_cast %add3A_1240 : i32 to index
      %get3A_1243 = tpu.vector_load %arg5[%get3A_1241, %get3A_1242] {strides = array<i32>} : memref<4x4096xf32, #tpu.memory_space<vmem>>, vector<16xf32>,
      %sort3A_1244 = arith.constant dense<true> : vector<16xi1>
      %sort3A_1245, %sort3A_1246, %sort3A_1247 = tpu.sort %get3A_1243, %get3A_1243 masked %sort3A_1244 : (vector<16xf32>, vector<16xf32>, vector<16xi1>) -> (vector<16xi1>, vector<16xf32>, vector<16xf32>)
      %rev3A_1248 = arith.constant 15 : i32
      %rev3A_1249 = vector.broadcast %rev3A_1248 : i32 to vector<16xi32>
      %rev3A_1250 = tpu.iota {dimensions = array<i32: 0>} : vector<16xi32>
      %rev3A_1251 = arith.subi %rev3A_1249, %rev3A_1250 : vector<16xi32>
      %rev3A_1252 = tpu.dynamic_gather %sort3A_1246[%rev3A_1251] in [0] : vector<16xf32>, vector<16xi32> -> vector<16xf32>
      %max3A_1253 = arith.maximumf %sort3A_1237, %rev3A_1252 : vector<16xf32>
      %sort3A_1254 = arith.constant dense<true> : vector<16xi1>
      %sort3A_1255, %sort3A_1256, %sort3A_1257 = tpu.sort %max3A_1253, %max3A_1253 masked %sort3A_1254 : (vector<16xf32>, vector<16xf32>, vector<16xi1>) -> (vector<16xi1>, vector<16xf32>, vector<16xf32>)
      %ge3A_1258 = arith.constant 10 : i32
      %ge3A_1259 = vector.broadcast %ge3A_1258 : i32 to vector<16xi32>
      %ge3A_1260 = arith.cmpi sge, %iota3A, %ge3A_1259 : vector<16xi32>
      %jit3A_1261 = arith.constant 0x7F800000 : f32
      %broadcast_in_dim3A_1262 = vector.broadcast %jit3A_1261 : f32 to vector<16xf32>
      %select_n3A_1263 = arith.select %ge3A_1260, %sort3A_1256, %broadcast_in_dim3A_1262 : vector<16xi1>, vector<16xf32>
      %reduce_min3A_1264 = arith.constant true
      %reduce_min3A_1265 = vector.broadcast %reduce_min3A_1264 : i1 to vector<16xi1>
      %reduce_min3A_1266 = tpu.scan <min>, %select_n3A_1263 masked %reduce_min3A_1265 : vector<16xf32>, vector<16xi1> -> vector<16xf32>
      %reduce_min3A_1267 = vector.extract %reduce_min3A_1266[15] : f32 from vector<16xf32>
      %ge3A_1268 = arith.constant 13 : i32
      %ge3A_1269 = vector.broadcast %ge3A_1268 : i32 to vector<16xi32>
      %ge3A_1270 = arith.cmpi sge, %iota3A, %ge3A_1269 : vector<16xi32>
      %jit3A_1271 = arith.constant 0x7F800000 : f32
      %broadcast_in_dim3A_1272 = vector.broadcast %jit3A_1271 : f32 to vector<16xf32>
      %select_n3A_1273 = arith.select %ge3A_1270, %sort3A_1256, %broadcast_in_dim3A_1272 : vector<16xi1>, vector<16xf32>
      %reduce_min3A_1274 = arith.constant true
      %reduce_min3A_1275 = vector.broadcast %reduce_min3A_1274 : i1 to vector<16xi1>
      %reduce_min3A_1276 = tpu.scan <min>, %select_n3A_1273 masked %reduce_min3A_1275 : vector<16xf32>, vector<16xi1> -> vector<16xf32>
      %reduce_min3A_1277 = vector.extract %reduce_min3A_1276[15] : f32 from vector<16xf32>
      %eq3A_1278 = arith.constant 12 : i32
      %eq3A_1279 = vector.broadcast %eq3A_1278 : i32 to vector<16xi32>
      %eq3A_1280 = arith.cmpi eq, %iota3A, %eq3A_1279 : vector<16xi32>
      %broadcast_in_dim3A_1281 = vector.broadcast %reduce_min3A_1267 : f32 to vector<16xf32>
      %select_n3A_1282 = arith.select %eq3A_1280, %broadcast_in_dim3A_1281, %select_n3A_1183 : vector<16xi1>, vector<16xf32>
      %broadcast_in_dim3A_1283 = vector.broadcast %reduce_min3A_1277 : f32 to vector<16xf32>
      %select_n3A_1284 = arith.select %eq3A_1280, %broadcast_in_dim3A_1283, %select_n3A_1185 : vector<16xi1>, vector<16xf32>
      %mul3A_1285 = arith.constant 16 : i32
      %mul3A_1286 = arith.muli %scan3A_10, %mul3A_1285 : i32
      %add3A_1287 = arith.constant 13 : i32
      %add3A_1288 = arith.addi %mul3A_1286, %add3A_1287 : i32
      %jit3A_1289 = arith.constant 128 : i32
      %div3A_1290 = arith.divsi %add3A_1288, %jit3A_1289 : i32
      %sign3A_1291 = arith.constant 0 : i32
      %sign3A_1292 = arith.cmpi sgt, %add3A_1288, %sign3A_1291 : i32
      %sign3A_1293 = arith.extui %sign3A_1292 : i1 to i32
      %sign3A_1294 = arith.constant 0 : i32
      %sign3A_1295 = arith.cmpi slt, %add3A_1288, %sign3A_1294 : i32
      %sign3A_1296 = arith.extui %sign3A_1295 : i1 to i32
      %sign3A_1297 = arith.subi %sign3A_1293, %sign3A_1296 : i32
      %sign3A_1298 = arith.constant 0 : i32
      %sign3A_1299 = arith.cmpi sgt, %jit3A_1289, %sign3A_1298 : i32
      %sign3A_1300 = arith.extui %sign3A_1299 : i1 to i32
      %sign3A_1301 = arith.constant 0 : i32
      %sign3A_1302 = arith.cmpi slt, %jit3A_1289, %sign3A_1301 : i32
      %sign3A_1303 = arith.extui %sign3A_1302 : i1 to i32
      %sign3A_1304 = arith.subi %sign3A_1300, %sign3A_1303 : i32
      %ne3A_1305 = arith.cmpi ne, %sign3A_1297, %sign3A_1304 : i32
      %rem3A_1306 = arith.remsi %add3A_1288, %jit3A_1289 : i32
      %ne3A_1307 = arith.constant 0 : i32
      %ne3A_1308 = arith.cmpi ne, %rem3A_1306, %ne3A_1307 : i32
      %and3A_1309 = arith.andi %ne3A_1305, %ne3A_1308 : i1
      %sub3A_1310 = arith.constant 1 : i32
      %sub3A_1311 = arith.subi %div3A_1290, %sub3A_1310 : i32
      %select_n3A_1312 = arith.select %and3A_1309, %sub3A_1311, %div3A_1290 : i32
      %jit3A_1313 = arith.constant 128 : i32
      %eq3A_1314 = arith.constant 0 : i32
      %eq3A_1315 = arith.cmpi eq, %jit3A_1313, %eq3A_1314 : i32
      %jit3A_1316 = arith.constant 1 : i32
      %select_n3A_1317 = arith.select %eq3A_1315, %jit3A_1316, %jit3A_1313 : i32
      %rem3A_1318 = arith.remsi %add3A_1288, %select_n3A_1317 : i32
      %ne3A_1319 = arith.constant 0 : i32
      %ne3A_1320 = arith.cmpi ne, %rem3A_1318, %ne3A_1319 : i32
      %lt3A_1321 = arith.constant 0 : i32
      %lt3A_1322 = arith.cmpi slt, %rem3A_1318, %lt3A_1321 : i32
      %lt3A_1323 = arith.constant 0 : i32
      %lt3A_1324 = arith.cmpi slt, %select_n3A_1317, %lt3A_1323 : i32
      %ne3A_1325 = arith.xori %lt3A_1322, %lt3A_1324 : i1
      %and3A_1326 = arith.andi %ne3A_1325, %ne3A_1320 : i1
      %add3A_1327 = arith.addi %rem3A_1318, %select_n3A_1317 : i32
      %select_n3A_1328 = arith.select %and3A_1326, %add3A_1327, %rem3A_1318 : i32
      %mul3A_1329 = arith.constant 32 : i32
      %mul3A_1330 = arith.muli %select_n3A_1328, %mul3A_1329 : i32
      %get3A_1331 = arith.index_cast %select_n3A_1312 : i32 to index
      %get3A_1332 = arith.index_cast %mul3A_1330 : i32 to index
      %get3A_1333 = tpu.vector_load %arg5[%get3A_1331, %get3A_1332] {strides = array<i32>} : memref<4x4096xf32, #tpu.memory_space<vmem>>, vector<16xf32>,
      %sort3A_1334 = arith.constant dense<true> : vector<16xi1>
      %sort3A_1335, %sort3A_1336, %sort3A_1337 = tpu.sort %get3A_1333, %get3A_1333 masked %sort3A_1334 : (vector<16xf32>, vector<16xf32>, vector<16xi1>) -> (vector<16xi1>, vector<16xf32>, vector<16xf32>)
      %add3A_1338 = arith.constant 16 : i32
      %add3A_1339 = arith.addi %mul3A_1330, %add3A_1338 : i32
      %get3A_1340 = arith.index_cast %select_n3A_1312 : i32 to index
      %get3A_1341 = arith.index_cast %add3A_1339 : i32 to index
      %get3A_1342 = tpu.vector_load %arg5[%get3A_1340, %get3A_1341] {strides = array<i32>} : memref<4x4096xf32, #tpu.memory_space<vmem>>, vector<16xf32>,
      %sort3A_1343 = arith.constant dense<true> : vector<16xi1>
      %sort3A_1344, %sort3A_1345, %sort3A_1346 = tpu.sort %get3A_1342, %get3A_1342 masked %sort3A_1343 : (vector<16xf32>, vector<16xf32>, vector<16xi1>) -> (vector<16xi1>, vector<16xf32>, vector<16xf32>)
      %rev3A_1347 = arith.constant 15 : i32
      %rev3A_1348 = vector.broadcast %rev3A_1347 : i32 to vector<16xi32>
      %rev3A_1349 = tpu.iota {dimensions = array<i32: 0>} : vector<16xi32>
      %rev3A_1350 = arith.subi %rev3A_1348, %rev3A_1349 : vector<16xi32>
      %rev3A_1351 = tpu.dynamic_gather %sort3A_1345[%rev3A_1350] in [0] : vector<16xf32>, vector<16xi32> -> vector<16xf32>
      %max3A_1352 = arith.maximumf %sort3A_1336, %rev3A_1351 : vector<16xf32>
      %sort3A_1353 = arith.constant dense<true> : vector<16xi1>
      %sort3A_1354, %sort3A_1355, %sort3A_1356 = tpu.sort %max3A_1352, %max3A_1352 masked %sort3A_1353 : (vector<16xf32>, vector<16xf32>, vector<16xi1>) -> (vector<16xi1>, vector<16xf32>, vector<16xf32>)
      %ge3A_1357 = arith.constant 10 : i32
      %ge3A_1358 = vector.broadcast %ge3A_1357 : i32 to vector<16xi32>
      %ge3A_1359 = arith.cmpi sge, %iota3A, %ge3A_1358 : vector<16xi32>
      %jit3A_1360 = arith.constant 0x7F800000 : f32
      %broadcast_in_dim3A_1361 = vector.broadcast %jit3A_1360 : f32 to vector<16xf32>
      %select_n3A_1362 = arith.select %ge3A_1359, %sort3A_1355, %broadcast_in_dim3A_1361 : vector<16xi1>, vector<16xf32>
      %reduce_min3A_1363 = arith.constant true
      %reduce_min3A_1364 = vector.broadcast %reduce_min3A_1363 : i1 to vector<16xi1>
      %reduce_min3A_1365 = tpu.scan <min>, %select_n3A_1362 masked %reduce_min3A_1364 : vector<16xf32>, vector<16xi1> -> vector<16xf32>
      %reduce_min3A_1366 = vector.extract %reduce_min3A_1365[15] : f32 from vector<16xf32>
      %ge3A_1367 = arith.constant 13 : i32
      %ge3A_1368 = vector.broadcast %ge3A_1367 : i32 to vector<16xi32>
      %ge3A_1369 = arith.cmpi sge, %iota3A, %ge3A_1368 : vector<16xi32>
      %jit3A_1370 = arith.constant 0x7F800000 : f32
      %broadcast_in_dim3A_1371 = vector.broadcast %jit3A_1370 : f32 to vector<16xf32>
      %select_n3A_1372 = arith.select %ge3A_1369, %sort3A_1355, %broadcast_in_dim3A_1371 : vector<16xi1>, vector<16xf32>
      %reduce_min3A_1373 = arith.constant true
      %reduce_min3A_1374 = vector.broadcast %reduce_min3A_1373 : i1 to vector<16xi1>
      %reduce_min3A_1375 = tpu.scan <min>, %select_n3A_1372 masked %reduce_min3A_1374 : vector<16xf32>, vector<16xi1> -> vector<16xf32>
      %reduce_min3A_1376 = vector.extract %reduce_min3A_1375[15] : f32 from vector<16xf32>
      %eq3A_1377 = arith.constant 13 : i32
      %eq3A_1378 = vector.broadcast %eq3A_1377 : i32 to vector<16xi32>
      %eq3A_1379 = arith.cmpi eq, %iota3A, %eq3A_1378 : vector<16xi32>
      %broadcast_in_dim3A_1380 = vector.broadcast %reduce_min3A_1366 : f32 to vector<16xf32>
      %select_n3A_1381 = arith.select %eq3A_1379, %broadcast_in_dim3A_1380, %select_n3A_1282 : vector<16xi1>, vector<16xf32>
      %broadcast_in_dim3A_1382 = vector.broadcast %reduce_min3A_1376 : f32 to vector<16xf32>
      %select_n3A_1383 = arith.select %eq3A_1379, %broadcast_in_dim3A_1382, %select_n3A_1284 : vector<16xi1>, vector<16xf32>
      %mul3A_1384 = arith.constant 16 : i32
      %mul3A_1385 = arith.muli %scan3A_10, %mul3A_1384 : i32
      %add3A_1386 = arith.constant 14 : i32
      %add3A_1387 = arith.addi %mul3A_1385, %add3A_1386 : i32
      %jit3A_1388 = arith.constant 128 : i32
      %div3A_1389 = arith.divsi %add3A_1387, %jit3A_1388 : i32
      %sign3A_1390 = arith.constant 0 : i32
      %sign3A_1391 = arith.cmpi sgt, %add3A_1387, %sign3A_1390 : i32
      %sign3A_1392 = arith.extui %sign3A_1391 : i1 to i32
      %sign3A_1393 = arith.constant 0 : i32
      %sign3A_1394 = arith.cmpi slt, %add3A_1387, %sign3A_1393 : i32
      %sign3A_1395 = arith.extui %sign3A_1394 : i1 to i32
      %sign3A_1396 = arith.subi %sign3A_1392, %sign3A_1395 : i32
      %sign3A_1397 = arith.constant 0 : i32
      %sign3A_1398 = arith.cmpi sgt, %jit3A_1388, %sign3A_1397 : i32
      %sign3A_1399 = arith.extui %sign3A_1398 : i1 to i32
      %sign3A_1400 = arith.constant 0 : i32
      %sign3A_1401 = arith.cmpi slt, %jit3A_1388, %sign3A_1400 : i32
      %sign3A_1402 = arith.extui %sign3A_1401 : i1 to i32
      %sign3A_1403 = arith.subi %sign3A_1399, %sign3A_1402 : i32
      %ne3A_1404 = arith.cmpi ne, %sign3A_1396, %sign3A_1403 : i32
      %rem3A_1405 = arith.remsi %add3A_1387, %jit3A_1388 : i32
      %ne3A_1406 = arith.constant 0 : i32
      %ne3A_1407 = arith.cmpi ne, %rem3A_1405, %ne3A_1406 : i32
      %and3A_1408 = arith.andi %ne3A_1404, %ne3A_1407 : i1
      %sub3A_1409 = arith.constant 1 : i32
      %sub3A_1410 = arith.subi %div3A_1389, %sub3A_1409 : i32
      %select_n3A_1411 = arith.select %and3A_1408, %sub3A_1410, %div3A_1389 : i32
      %jit3A_1412 = arith.constant 128 : i32
      %eq3A_1413 = arith.constant 0 : i32
      %eq3A_1414 = arith.cmpi eq, %jit3A_1412, %eq3A_1413 : i32
      %jit3A_1415 = arith.constant 1 : i32
      %select_n3A_1416 = arith.select %eq3A_1414, %jit3A_1415, %jit3A_1412 : i32
      %rem3A_1417 = arith.remsi %add3A_1387, %select_n3A_1416 : i32
      %ne3A_1418 = arith.constant 0 : i32
      %ne3A_1419 = arith.cmpi ne, %rem3A_1417, %ne3A_1418 : i32
      %lt3A_1420 = arith.constant 0 : i32
      %lt3A_1421 = arith.cmpi slt, %rem3A_1417, %lt3A_1420 : i32
      %lt3A_1422 = arith.constant 0 : i32
      %lt3A_1423 = arith.cmpi slt, %select_n3A_1416, %lt3A_1422 : i32
      %ne3A_1424 = arith.xori %lt3A_1421, %lt3A_1423 : i1
      %and3A_1425 = arith.andi %ne3A_1424, %ne3A_1419 : i1
      %add3A_1426 = arith.addi %rem3A_1417, %select_n3A_1416 : i32
      %select_n3A_1427 = arith.select %and3A_1425, %add3A_1426, %rem3A_1417 : i32
      %mul3A_1428 = arith.constant 32 : i32
      %mul3A_1429 = arith.muli %select_n3A_1427, %mul3A_1428 : i32
      %get3A_1430 = arith.index_cast %select_n3A_1411 : i32 to index
      %get3A_1431 = arith.index_cast %mul3A_1429 : i32 to index
      %get3A_1432 = tpu.vector_load %arg5[%get3A_1430, %get3A_1431] {strides = array<i32>} : memref<4x4096xf32, #tpu.memory_space<vmem>>, vector<16xf32>,
      %sort3A_1433 = arith.constant dense<true> : vector<16xi1>
      %sort3A_1434, %sort3A_1435, %sort3A_1436 = tpu.sort %get3A_1432, %get3A_1432 masked %sort3A_1433 : (vector<16xf32>, vector<16xf32>, vector<16xi1>) -> (vector<16xi1>, vector<16xf32>, vector<16xf32>)
      %add3A_1437 = arith.constant 16 : i32
      %add3A_1438 = arith.addi %mul3A_1429, %add3A_1437 : i32
      %get3A_1439 = arith.index_cast %select_n3A_1411 : i32 to index
      %get3A_1440 = arith.index_cast %add3A_1438 : i32 to index
      %get3A_1441 = tpu.vector_load %arg5[%get3A_1439, %get3A_1440] {strides = array<i32>} : memref<4x4096xf32, #tpu.memory_space<vmem>>, vector<16xf32>,
      %sort3A_1442 = arith.constant dense<true> : vector<16xi1>
      %sort3A_1443, %sort3A_1444, %sort3A_1445 = tpu.sort %get3A_1441, %get3A_1441 masked %sort3A_1442 : (vector<16xf32>, vector<16xf32>, vector<16xi1>) -> (vector<16xi1>, vector<16xf32>, vector<16xf32>)
      %rev3A_1446 = arith.constant 15 : i32
      %rev3A_1447 = vector.broadcast %rev3A_1446 : i32 to vector<16xi32>
      %rev3A_1448 = tpu.iota {dimensions = array<i32: 0>} : vector<16xi32>
      %rev3A_1449 = arith.subi %rev3A_1447, %rev3A_1448 : vector<16xi32>
      %rev3A_1450 = tpu.dynamic_gather %sort3A_1444[%rev3A_1449] in [0] : vector<16xf32>, vector<16xi32> -> vector<16xf32>
      %max3A_1451 = arith.maximumf %sort3A_1435, %rev3A_1450 : vector<16xf32>
      %sort3A_1452 = arith.constant dense<true> : vector<16xi1>
      %sort3A_1453, %sort3A_1454, %sort3A_1455 = tpu.sort %max3A_1451, %max3A_1451 masked %sort3A_1452 : (vector<16xf32>, vector<16xf32>, vector<16xi1>) -> (vector<16xi1>, vector<16xf32>, vector<16xf32>)
      %ge3A_1456 = arith.constant 10 : i32
      %ge3A_1457 = vector.broadcast %ge3A_1456 : i32 to vector<16xi32>
      %ge3A_1458 = arith.cmpi sge, %iota3A, %ge3A_1457 : vector<16xi32>
      %jit3A_1459 = arith.constant 0x7F800000 : f32
      %broadcast_in_dim3A_1460 = vector.broadcast %jit3A_1459 : f32 to vector<16xf32>
      %select_n3A_1461 = arith.select %ge3A_1458, %sort3A_1454, %broadcast_in_dim3A_1460 : vector<16xi1>, vector<16xf32>
      %reduce_min3A_1462 = arith.constant true
      %reduce_min3A_1463 = vector.broadcast %reduce_min3A_1462 : i1 to vector<16xi1>
      %reduce_min3A_1464 = tpu.scan <min>, %select_n3A_1461 masked %reduce_min3A_1463 : vector<16xf32>, vector<16xi1> -> vector<16xf32>
      %reduce_min3A_1465 = vector.extract %reduce_min3A_1464[15] : f32 from vector<16xf32>
      %ge3A_1466 = arith.constant 13 : i32
      %ge3A_1467 = vector.broadcast %ge3A_1466 : i32 to vector<16xi32>
      %ge3A_1468 = arith.cmpi sge, %iota3A, %ge3A_1467 : vector<16xi32>
      %jit3A_1469 = arith.constant 0x7F800000 : f32
      %broadcast_in_dim3A_1470 = vector.broadcast %jit3A_1469 : f32 to vector<16xf32>
      %select_n3A_1471 = arith.select %ge3A_1468, %sort3A_1454, %broadcast_in_dim3A_1470 : vector<16xi1>, vector<16xf32>
      %reduce_min3A_1472 = arith.constant true
      %reduce_min3A_1473 = vector.broadcast %reduce_min3A_1472 : i1 to vector<16xi1>
      %reduce_min3A_1474 = tpu.scan <min>, %select_n3A_1471 masked %reduce_min3A_1473 : vector<16xf32>, vector<16xi1> -> vector<16xf32>
      %reduce_min3A_1475 = vector.extract %reduce_min3A_1474[15] : f32 from vector<16xf32>
      %eq3A_1476 = arith.constant 14 : i32
      %eq3A_1477 = vector.broadcast %eq3A_1476 : i32 to vector<16xi32>
      %eq3A_1478 = arith.cmpi eq, %iota3A, %eq3A_1477 : vector<16xi32>
      %broadcast_in_dim3A_1479 = vector.broadcast %reduce_min3A_1465 : f32 to vector<16xf32>
      %select_n3A_1480 = arith.select %eq3A_1478, %broadcast_in_dim3A_1479, %select_n3A_1381 : vector<16xi1>, vector<16xf32>
      %broadcast_in_dim3A_1481 = vector.broadcast %reduce_min3A_1475 : f32 to vector<16xf32>
      %select_n3A_1482 = arith.select %eq3A_1478, %broadcast_in_dim3A_1481, %select_n3A_1383 : vector<16xi1>, vector<16xf32>
      %mul3A_1483 = arith.constant 16 : i32
      %mul3A_1484 = arith.muli %scan3A_10, %mul3A_1483 : i32
      %add3A_1485 = arith.constant 15 : i32
      %add3A_1486 = arith.addi %mul3A_1484, %add3A_1485 : i32
      %jit3A_1487 = arith.constant 128 : i32
      %div3A_1488 = arith.divsi %add3A_1486, %jit3A_1487 : i32
      %sign3A_1489 = arith.constant 0 : i32
      %sign3A_1490 = arith.cmpi sgt, %add3A_1486, %sign3A_1489 : i32
      %sign3A_1491 = arith.extui %sign3A_1490 : i1 to i32
      %sign3A_1492 = arith.constant 0 : i32
      %sign3A_1493 = arith.cmpi slt, %add3A_1486, %sign3A_1492 : i32
      %sign3A_1494 = arith.extui %sign3A_1493 : i1 to i32
      %sign3A_1495 = arith.subi %sign3A_1491, %sign3A_1494 : i32
      %sign3A_1496 = arith.constant 0 : i32
      %sign3A_1497 = arith.cmpi sgt, %jit3A_1487, %sign3A_1496 : i32
      %sign3A_1498 = arith.extui %sign3A_1497 : i1 to i32
      %sign3A_1499 = arith.constant 0 : i32
      %sign3A_1500 = arith.cmpi slt, %jit3A_1487, %sign3A_1499 : i32
      %sign3A_1501 = arith.extui %sign3A_1500 : i1 to i32
      %sign3A_1502 = arith.subi %sign3A_1498, %sign3A_1501 : i32
      %ne3A_1503 = arith.cmpi ne, %sign3A_1495, %sign3A_1502 : i32
      %rem3A_1504 = arith.remsi %add3A_1486, %jit3A_1487 : i32
      %ne3A_1505 = arith.constant 0 : i32
      %ne3A_1506 = arith.cmpi ne, %rem3A_1504, %ne3A_1505 : i32
      %and3A_1507 = arith.andi %ne3A_1503, %ne3A_1506 : i1
      %sub3A_1508 = arith.constant 1 : i32
      %sub3A_1509 = arith.subi %div3A_1488, %sub3A_1508 : i32
      %select_n3A_1510 = arith.select %and3A_1507, %sub3A_1509, %div3A_1488 : i32
      %jit3A_1511 = arith.constant 128 : i32
      %eq3A_1512 = arith.constant 0 : i32
      %eq3A_1513 = arith.cmpi eq, %jit3A_1511, %eq3A_1512 : i32
      %jit3A_1514 = arith.constant 1 : i32
      %select_n3A_1515 = arith.select %eq3A_1513, %jit3A_1514, %jit3A_1511 : i32
      %rem3A_1516 = arith.remsi %add3A_1486, %select_n3A_1515 : i32
      %ne3A_1517 = arith.constant 0 : i32
      %ne3A_1518 = arith.cmpi ne, %rem3A_1516, %ne3A_1517 : i32
      %lt3A_1519 = arith.constant 0 : i32
      %lt3A_1520 = arith.cmpi slt, %rem3A_1516, %lt3A_1519 : i32
      %lt3A_1521 = arith.constant 0 : i32
      %lt3A_1522 = arith.cmpi slt, %select_n3A_1515, %lt3A_1521 : i32
      %ne3A_1523 = arith.xori %lt3A_1520, %lt3A_1522 : i1
      %and3A_1524 = arith.andi %ne3A_1523, %ne3A_1518 : i1
      %add3A_1525 = arith.addi %rem3A_1516, %select_n3A_1515 : i32
      %select_n3A_1526 = arith.select %and3A_1524, %add3A_1525, %rem3A_1516 : i32
      %mul3A_1527 = arith.constant 32 : i32
      %mul3A_1528 = arith.muli %select_n3A_1526, %mul3A_1527 : i32
      %get3A_1529 = arith.index_cast %select_n3A_1510 : i32 to index
      %get3A_1530 = arith.index_cast %mul3A_1528 : i32 to index
      %get3A_1531 = tpu.vector_load %arg5[%get3A_1529, %get3A_1530] {strides = array<i32>} : memref<4x4096xf32, #tpu.memory_space<vmem>>, vector<16xf32>,
      %sort3A_1532 = arith.constant dense<true> : vector<16xi1>
      %sort3A_1533, %sort3A_1534, %sort3A_1535 = tpu.sort %get3A_1531, %get3A_1531 masked %sort3A_1532 : (vector<16xf32>, vector<16xf32>, vector<16xi1>) -> (vector<16xi1>, vector<16xf32>, vector<16xf32>)
      %add3A_1536 = arith.constant 16 : i32
      %add3A_1537 = arith.addi %mul3A_1528, %add3A_1536 : i32
      %get3A_1538 = arith.index_cast %select_n3A_1510 : i32 to index
      %get3A_1539 = arith.index_cast %add3A_1537 : i32 to index
      %get3A_1540 = tpu.vector_load %arg5[%get3A_1538, %get3A_1539] {strides = array<i32>} : memref<4x4096xf32, #tpu.memory_space<vmem>>, vector<16xf32>,
      %sort3A_1541 = arith.constant dense<true> : vector<16xi1>
      %sort3A_1542, %sort3A_1543, %sort3A_1544 = tpu.sort %get3A_1540, %get3A_1540 masked %sort3A_1541 : (vector<16xf32>, vector<16xf32>, vector<16xi1>) -> (vector<16xi1>, vector<16xf32>, vector<16xf32>)
      %rev3A_1545 = arith.constant 15 : i32
      %rev3A_1546 = vector.broadcast %rev3A_1545 : i32 to vector<16xi32>
      %rev3A_1547 = tpu.iota {dimensions = array<i32: 0>} : vector<16xi32>
      %rev3A_1548 = arith.subi %rev3A_1546, %rev3A_1547 : vector<16xi32>
      %rev3A_1549 = tpu.dynamic_gather %sort3A_1543[%rev3A_1548] in [0] : vector<16xf32>, vector<16xi32> -> vector<16xf32>
      %max3A_1550 = arith.maximumf %sort3A_1534, %rev3A_1549 : vector<16xf32>
      %sort3A_1551 = arith.constant dense<true> : vector<16xi1>
      %sort3A_1552, %sort3A_1553, %sort3A_1554 = tpu.sort %max3A_1550, %max3A_1550 masked %sort3A_1551 : (vector<16xf32>, vector<16xf32>, vector<16xi1>) -> (vector<16xi1>, vector<16xf32>, vector<16xf32>)
      %ge3A_1555 = arith.constant 10 : i32
      %ge3A_1556 = vector.broadcast %ge3A_1555 : i32 to vector<16xi32>
      %ge3A_1557 = arith.cmpi sge, %iota3A, %ge3A_1556 : vector<16xi32>
      %jit3A_1558 = arith.constant 0x7F800000 : f32
      %broadcast_in_dim3A_1559 = vector.broadcast %jit3A_1558 : f32 to vector<16xf32>
      %select_n3A_1560 = arith.select %ge3A_1557, %sort3A_1553, %broadcast_in_dim3A_1559 : vector<16xi1>, vector<16xf32>
      %reduce_min3A_1561 = arith.constant true
      %reduce_min3A_1562 = vector.broadcast %reduce_min3A_1561 : i1 to vector<16xi1>
      %reduce_min3A_1563 = tpu.scan <min>, %select_n3A_1560 masked %reduce_min3A_1562 : vector<16xf32>, vector<16xi1> -> vector<16xf32>
      %reduce_min3A_1564 = vector.extract %reduce_min3A_1563[15] : f32 from vector<16xf32>
      %ge3A_1565 = arith.constant 13 : i32
      %ge3A_1566 = vector.broadcast %ge3A_1565 : i32 to vector<16xi32>
      %ge3A_1567 = arith.cmpi sge, %iota3A, %ge3A_1566 : vector<16xi32>
      %jit3A_1568 = arith.constant 0x7F800000 : f32
      %broadcast_in_dim3A_1569 = vector.broadcast %jit3A_1568 : f32 to vector<16xf32>
      %select_n3A_1570 = arith.select %ge3A_1567, %sort3A_1553, %broadcast_in_dim3A_1569 : vector<16xi1>, vector<16xf32>
      %reduce_min3A_1571 = arith.constant true
      %reduce_min3A_1572 = vector.broadcast %reduce_min3A_1571 : i1 to vector<16xi1>
      %reduce_min3A_1573 = tpu.scan <min>, %select_n3A_1570 masked %reduce_min3A_1572 : vector<16xf32>, vector<16xi1> -> vector<16xf32>
      %reduce_min3A_1574 = vector.extract %reduce_min3A_1573[15] : f32 from vector<16xf32>
      %eq3A_1575 = arith.constant 15 : i32
      %eq3A_1576 = vector.broadcast %eq3A_1575 : i32 to vector<16xi32>
      %eq3A_1577 = arith.cmpi eq, %iota3A, %eq3A_1576 : vector<16xi32>
      %broadcast_in_dim3A_1578 = vector.broadcast %reduce_min3A_1564 : f32 to vector<16xf32>
      %select_n3A_1579 = arith.select %eq3A_1577, %broadcast_in_dim3A_1578, %select_n3A_1480 : vector<16xi1>, vector<16xf32>
      %broadcast_in_dim3A_1580 = vector.broadcast %reduce_min3A_1574 : f32 to vector<16xf32>
      %select_n3A_1581 = arith.select %eq3A_1577, %broadcast_in_dim3A_1580, %select_n3A_1482 : vector<16xi1>, vector<16xf32>
      %mul3A_1582 = arith.constant 16 : i32
      %mul3A_1583 = arith.muli %scan3A_10, %mul3A_1582 : i32
      %swap3A = arith.index_cast %mul3A_1583 : i32 to index
      %swap3A_1584 = tpu.vector_load %arg6[%swap3A] {strides = array<i32>} : memref<512xf32, #tpu.memory_space<vmem>>, vector<16xf32>,
      tpu.vector_store %arg6[%swap3A], %select_n3A_1579 {strides = array<i32>} : memref<512xf32, #tpu.memory_space<vmem>>, vector<16xf32>,
      %mul3A_1585 = arith.constant 16 : i32
      %mul3A_1586 = arith.muli %scan3A_10, %mul3A_1585 : i32
      %swap3A_1587 = arith.index_cast %mul3A_1586 : i32 to index
      %swap3A_1588 = tpu.vector_load %arg7[%swap3A_1587] {strides = array<i32>} : memref<512xf32, #tpu.memory_space<vmem>>, vector<16xf32>,
      tpu.vector_store %arg7[%swap3A_1587], %select_n3A_1581 {strides = array<i32>} : memref<512xf32, #tpu.memory_space<vmem>>, vector<16xf32>,
    }
    %scan3A_9 = arith.constant 32 : i32
    "tpu.region"() ({
      %run_scoped3A = tpu.sem_alloc : memref<!tpu.dma_semaphore, #tpu.memory_space<semaphore_mem>>
      %dma_start3A = tpu.memref_slice %arg3[%mul3A_2] : memref<16384xf32, #tpu.memory_space<hbm>> -> memref<512xf32, #tpu.memory_space<hbm>>
      %dma_start3A_10 = tpu.memref_slice %arg3[%mul3A_2] : memref<16384xf32, #tpu.memory_space<hbm>> -> memref<512xf32, #tpu.memory_space<hbm>>
      tpu.enqueue_dma source(%arg6 : memref<512xf32, #tpu.memory_space<vmem>>) target(%dma_start3A_10 : memref<512xf32, #tpu.memory_space<hbm>>) target_semaphore(%run_scoped3A : memref<!tpu.dma_semaphore, #tpu.memory_space<semaphore_mem>>)
      %dma_wait3A = tpu.memref_slice %arg3[%mul3A_2] : memref<16384xf32, #tpu.memory_space<hbm>> -> memref<512xf32, #tpu.memory_space<hbm>>
      %dma_wait3A_11 = tpu.memref_slice %arg3[%mul3A_2] : memref<16384xf32, #tpu.memory_space<hbm>> -> memref<512xf32, #tpu.memory_space<hbm>>
      tpu.wait_dma2 semaphore(%run_scoped3A : memref<!tpu.dma_semaphore, #tpu.memory_space<semaphore_mem>>) src(%arg6 : memref<512xf32, #tpu.memory_space<vmem>>) dst(%dma_wait3A_11 : memref<512xf32, #tpu.memory_space<hbm>>)
      tpu.yield
    }) : () -> ()
    "tpu.region"() ({
      %run_scoped3A = tpu.sem_alloc : memref<!tpu.dma_semaphore, #tpu.memory_space<semaphore_mem>>
      %dma_start3A = tpu.memref_slice %arg4[%mul3A_2] : memref<16384xf32, #tpu.memory_space<hbm>> -> memref<512xf32, #tpu.memory_space<hbm>>
      %dma_start3A_10 = tpu.memref_slice %arg4[%mul3A_2] : memref<16384xf32, #tpu.memory_space<hbm>> -> memref<512xf32, #tpu.memory_space<hbm>>
      tpu.enqueue_dma source(%arg7 : memref<512xf32, #tpu.memory_space<vmem>>) target(%dma_start3A_10 : memref<512xf32, #tpu.memory_space<hbm>>) target_semaphore(%run_scoped3A : memref<!tpu.dma_semaphore, #tpu.memory_space<semaphore_mem>>)
      %dma_wait3A = tpu.memref_slice %arg4[%mul3A_2] : memref<16384xf32, #tpu.memory_space<hbm>> -> memref<512xf32, #tpu.memory_space<hbm>>
      %dma_wait3A_11 = tpu.memref_slice %arg4[%mul3A_2] : memref<16384xf32, #tpu.memory_space<hbm>> -> memref<512xf32, #tpu.memory_space<hbm>>
      tpu.wait_dma2 semaphore(%run_scoped3A : memref<!tpu.dma_semaphore, #tpu.memory_space<semaphore_mem>>) src(%arg7 : memref<512xf32, #tpu.memory_space<vmem>>) dst(%dma_wait3A_11 : memref<512xf32, #tpu.memory_space<hbm>>)
      tpu.yield
    }) : () -> ()
    return
  }
}

module attributes {stable_mosaic.version = 14 : i64} {
  func.func @_finish_body(%arg0: memref<128x128xf32, #tpu.memory_space<vmem>>, %arg1: memref<128x128xf32, #tpu.memory_space<vmem>>, %arg2: memref<1x1xf32, #tpu.memory_space<vmem>>) attributes {dimension_semantics = [], scalar_prefetch = 0 : i64, scratch_operands = 0 : i64, tpu.core_type = #tpu.core_type<tc>} {
    %get3A = arith.constant 0 : index
    %get3A_0 = arith.constant 0 : index
    %get3A_1 = vector.load %arg0[%get3A, %get3A_0] : memref<128x128xf32, #tpu.memory_space<vmem>>, vector<128x128xf32>
    %get3A_2 = arith.constant 0 : index
    %get3A_3 = arith.constant 0 : index
    %get3A_4 = vector.load %arg1[%get3A_2, %get3A_3] : memref<128x128xf32, #tpu.memory_space<vmem>>, vector<128x128xf32>
    %iota3A = tpu.iota {dimensions = array<i32: 0>} : vector<128x128xi32>
    %iota3A_5 = tpu.iota {dimensions = array<i32: 1>} : vector<128x128xi32>
    %ne3A = arith.cmpi ne, %iota3A, %iota3A_5 : vector<128x128xi32>
    %transpose3A = tpu.transpose %get3A_1, [1, 0] : vector<128x128xf32> -> vector<128x128xf32>
    %min3A = arith.minimumf %get3A_1, %transpose3A : vector<128x128xf32>
    %jit3A = arith.constant 0x7F800000 : f32
    %broadcast_in_dim3A = vector.broadcast %jit3A : f32 to vector<128x128xf32>
    %select_n3A = arith.select %ne3A, %min3A, %broadcast_in_dim3A : vector<128x128xi1>, vector<128x128xf32>
    %reduce_min3A = arith.constant dense<0x7F800000> : vector<128xf32>
    %reduce_min3A_6 = vector.multi_reduction <minimumf>, %select_n3A, %reduce_min3A [1] : vector<128x128xf32> to vector<128xf32>
    %broadcast_in_dim3A_7 = vector.shape_cast %reduce_min3A_6 : vector<128xf32> to vector<128x1xf32>
    %jit3A_8 = arith.constant 0xFF800000 : f32
    %broadcast_in_dim3A_9 = vector.broadcast %jit3A_8 : f32 to vector<128x128xf32>
    %select_n3A_10 = arith.select %ne3A, %broadcast_in_dim3A_9, %get3A_4 : vector<128x128xi1>, vector<128x128xf32>
    %reduce_max3A = arith.constant dense<0xFF800000> : vector<128xf32>
    %reduce_max3A_11 = vector.multi_reduction <maximumf>, %select_n3A_10, %reduce_max3A [1] : vector<128x128xf32> to vector<128xf32>
    %broadcast_in_dim3A_12 = vector.shape_cast %reduce_max3A_11 : vector<128xf32> to vector<128x1xf32>
    %max3A = arith.constant 9.99999996E-13 : f32
    %max3A_13 = vector.broadcast %max3A : f32 to vector<128x1xf32>
    %max3A_14 = arith.maximumf %broadcast_in_dim3A_12, %max3A_13 : vector<128x1xf32>
    %sqrt3A = math.sqrt %max3A_14 : vector<128x1xf32>
    %max3A_15 = arith.constant 9.99999996E-13 : f32
    %max3A_16 = vector.broadcast %max3A_15 : f32 to vector<128x1xf32>
    %max3A_17 = arith.maximumf %broadcast_in_dim3A_7, %max3A_16 : vector<128x1xf32>
    %sqrt3A_18 = math.sqrt %max3A_17 : vector<128x1xf32>
    %sub3A = arith.subf %sqrt3A, %sqrt3A_18 : vector<128x1xf32>
    %add3A = arith.constant 3.000000e-01 : f32
    %add3A_19 = vector.broadcast %add3A : f32 to vector<128x1xf32>
    %add3A_20 = arith.addf %sub3A, %add3A_19 : vector<128x1xf32>
    %max3A_21 = arith.constant 0.000000e+00 : f32
    %max3A_22 = vector.broadcast %max3A_21 : f32 to vector<128x1xf32>
    %max3A_23 = arith.maximumf %add3A_20, %max3A_22 : vector<128x1xf32>
    %reduce_sum3A = vector.shape_cast %max3A_23 : vector<128x1xf32> to vector<1x128x1xf32>
    %reduce_sum3A_24 = arith.constant dense<0.000000e+00> : vector<1xf32>
    %reduce_sum3A_25 = vector.multi_reduction <add>, %reduce_sum3A, %reduce_sum3A_24 [1, 2] : vector<1x128x1xf32> to vector<1xf32>
    %reduce_sum3A_26 = vector.shape_cast %reduce_sum3A_25 : vector<1xf32> to vector<1x1x1xf32>
    %reduce_sum3A_27 = vector.extract %reduce_sum3A_26[0, 0, 0] : f32 from vector<1x1x1xf32>
    %mul3A = arith.constant 7.812500e-03 : f32
    %mul3A_28 = arith.mulf %reduce_sum3A_27, %mul3A : f32
    %broadcast_in_dim3A_29 = vector.broadcast %mul3A_28 : f32 to vector<1x1xf32>
    %swap3A = arith.constant 0 : index
    %swap3A_30 = arith.constant 0 : index
    %swap3A_31 = vector.load %arg2[%swap3A, %swap3A_30] : memref<1x1xf32, #tpu.memory_space<vmem>>, vector<1x1xf32>
    tpu.vector_store %arg2[%swap3A, %swap3A_30], %broadcast_in_dim3A_29 {strides = array<i32>} : memref<1x1xf32, #tpu.memory_space<vmem>>, vector<1x1xf32>,
    return
  }
}

module attributes {stable_mosaic.version = 14 : i64} {
  func.func @_stage1_body(%arg0: i32, %arg1: memref<128x32x64xf32, #tpu.memory_space<vmem>>, %arg2: memref<64x4096xf32, #tpu.memory_space<vmem>>, %arg3: memref<4096x64xf32, #tpu.memory_space<vmem>>) attributes {dimension_semantics = [#tpu.dimension_semantics<arbitrary>], iteration_bounds = array<i64: 2>, scalar_prefetch = 0 : i64, scratch_operands = 1 : i64, tpu.core_type = #tpu.core_type<tc>, window_params = [{pipeline_mode = #tpu.pipeline_mode<synchronous>, transform_indices = @transform_0, window_bounds = array<i64: 128, 32, 64>}, {transform_indices = @transform_1, window_bounds = array<i64: 64, 4096>}]} {
    %eq3A = arith.constant 0 : i32
    %eq3A_0 = arith.cmpi eq, %arg0, %eq3A : i32
    %convert_element_type3A = arith.extui %eq3A_0 : i1 to i32
    %cond3A = arith.constant 0 : i32
    %cond3A_1 = arith.cmpi ne, %convert_element_type3A, %cond3A : i32
    scf.if %cond3A_1 {
      %get3A_17 = arith.constant 0 : index
      %get3A_18 = arith.constant 0 : index
      %get3A_19 = arith.constant 0 : index
      %get3A_20 = vector.load %arg1[%get3A_17, %get3A_18, %get3A_19] : memref<128x32x64xf32, #tpu.memory_space<vmem>>, vector<128x32x64xf32>
      %reshape3A_21 = vector.shape_cast %get3A_20 : vector<128x32x64xf32> to vector<4096x64xf32>
      %mul3A_22 = arith.mulf %reshape3A_21, %reshape3A_21 : vector<4096x64xf32>
      %reduce_sum3A = arith.constant dense<0.000000e+00> : vector<4096xf32>
      %reduce_sum3A_23 = vector.multi_reduction <add>, %mul3A_22, %reduce_sum3A [1] : vector<4096x64xf32> to vector<4096xf32>
      %broadcast_in_dim3A = vector.shape_cast %reduce_sum3A_23 : vector<4096xf32> to vector<4096x1xf32>
      %max3A = arith.constant 1.000000e-24 : f32
      %max3A_24 = vector.broadcast %max3A : f32 to vector<4096x1xf32>
      %max3A_25 = arith.maximumf %broadcast_in_dim3A, %max3A_24 : vector<4096x1xf32>
      %rsqrt3A = math.rsqrt %max3A_25 : vector<4096x1xf32>
      %mul3A_26 = vector.broadcast %rsqrt3A : vector<4096x1xf32> to vector<4096x64xf32>
      %mul3A_27 = arith.mulf %reshape3A_21, %mul3A_26 : vector<4096x64xf32>
      %swap3A_28 = arith.constant 0 : index
      %swap3A_29 = arith.constant 0 : index
      %swap3A_30 = vector.load %arg3[%swap3A_28, %swap3A_29] : memref<4096x64xf32, #tpu.memory_space<vmem>>, vector<4096x64xf32>
      tpu.vector_store %arg3[%swap3A_28, %swap3A_29], %mul3A_27 {strides = array<i32>} : memref<4096x64xf32, #tpu.memory_space<vmem>>, vector<4096x64xf32>,
    } else {
    }
    %get3A = arith.constant 0 : index
    %get3A_2 = arith.constant 0 : index
    %get3A_3 = vector.load %arg3[%get3A, %get3A_2] : memref<4096x64xf32, #tpu.memory_space<vmem>>, vector<4096x64xf32>
    %mul3A = arith.constant 2048 : i32
    %mul3A_4 = arith.muli %arg0, %mul3A : i32
    %get3A_5 = arith.index_cast %mul3A_4 : i32 to index
    %get3A_6 = arith.constant 0 : index
    %get3A_7 = vector.load %arg3[%get3A_5, %get3A_6] : memref<4096x64xf32, #tpu.memory_space<vmem>>, vector<2048x64xf32>
    %dot_general3A = arith.constant dense<0.000000e+00> : vector<2048x4096xf32>
    %dot_general3A_8 = tpu.matmul %get3A_7, %get3A_3, %dot_general3A {dimension_numbers = #tpu.dot_dimension_numbers<[1], [1], [0], [0], [0, 0, 1, 0], [], []>, transpose_lhs_hint = false} : vector<2048x64xf32>, vector<4096x64xf32>, vector<2048x4096xf32> -> vector<2048x4096xf32>
    %reshape3A = vector.shape_cast %dot_general3A_8 : vector<2048x4096xf32> to vector<64x32x4096xf32>
    %reduce_max3A = arith.constant dense<0xFF800000> : vector<64x4096xf32>
    %reduce_max3A_9 = vector.multi_reduction <maximumf>, %reshape3A, %reduce_max3A [1] : vector<64x32x4096xf32> to vector<64x4096xf32>
    %mul3A_10 = arith.constant 2.000000e+00 : f32
    %mul3A_11 = vector.broadcast %mul3A_10 : f32 to vector<64x4096xf32>
    %mul3A_12 = arith.mulf %mul3A_11, %reduce_max3A_9 : vector<64x4096xf32>
    %sub3A = arith.constant 2.000000e+00 : f32
    %sub3A_13 = vector.broadcast %sub3A : f32 to vector<64x4096xf32>
    %sub3A_14 = arith.subf %sub3A_13, %mul3A_12 : vector<64x4096xf32>
    %swap3A = arith.constant 0 : index
    %swap3A_15 = arith.constant 0 : index
    %swap3A_16 = vector.load %arg2[%swap3A, %swap3A_15] : memref<64x4096xf32, #tpu.memory_space<vmem>>, vector<64x4096xf32>
    tpu.vector_store %arg2[%swap3A, %swap3A_15], %sub3A_14 {strides = array<i32>} : memref<64x4096xf32, #tpu.memory_space<vmem>>, vector<64x4096xf32>,
    return
  }
  func.func @transform_0(%arg0: i32) -> (i32, i32, i32) {
    %c0_i32 = arith.constant 0 : i32
    %c0_i32_0 = arith.constant 0 : i32
    %c0_i32_1 = arith.constant 0 : i32
    %c0_i32_2 = arith.constant 0 : i32
    return %c0_i32, %c0_i32_0, %c0_i32_1 : i32, i32, i32
  }
  func.func @transform_1(%arg0: i32) -> (i32, i32) {
    %c0_i32 = arith.constant 0 : i32
    %c0_i32_0 = arith.constant 0 : i32
    return %arg0, %c0_i32 : i32, i32
  }
}

</mosaic_0001>

<sc_bundles>
// kernel: kernel.5.cloned.1.call-start
scs
__scs_entry_jumppad:
0x0: {  	(pc) =	sbr.rel $0x88, $3  }
0x1: {  	(tag) =	ssettag $0x0;
	lr =	simm.s32 $0x1  }
0x2: {  	[smem:$0x3FA0] =	sst lr;
	_ =	strace $0xD0000000  }
0x3: {  	_ = 	snop  }
0x4: {  	_ = 	snop  }
0x5: {  	_ = 	snop  }
0x6: {  	_ = 	snop  }
0x7: {  	_ = 	snop  }
__scs_overlays_trampoline_lowered:
0x8: {  	[smem:$0x3FAF] =	sst s0  }
0x9: {  	[smem:$0x3FB0] =	sst s1  }
0xa: {  	[smem:$0x3FB1] =	sst s2  }
0xb: {  	[smem:$0x3FB2] =	sst s3  }
0xc: {  	[smem:$0x3FB3] =	sst s4  }
0xd: {  	[smem:$0x3FB4] =	sst s5  }
0xe: {  	[smem:$0x3FB5] =	sst s6  }
0xf: {  	[smem:$0x3FB6] =	sst s7  }
0x10: {  	[smem:$0x3FB7] =	sst s8  }
0x11: {  	[smem:$0x3FB8] =	sst s9;
	s0 =	simm.s32 @!p0 $0x0  }
0x12: {  	s1 =	sld [smem:$0x3F9E];
	s0 =	simm.s32 @p0 $0x1  }
0x13: {  	[smem:$0x3FB9] =	sst s0;
	s0 =	simm.s32 @!p1 $0x0  }
0x14: {  	s2 =	sld [smem:$0x3F9D];
	s0 =	simm.s32 @p1 $0x1  }
0x15: {  	[smem:$0x3FBA] =	sst s0;
	s0 =	simm.s32 @!p2 $0x0  }
0x16: {  	s3 =	sld [smem:$0x3FDB];
	s0 =	simm.s32 @p2 $0x1  }
0x17: {  	s4 =	simm.s32 $0x1BF5;
	[smem:$0x3FBC] =	sst s0  }
0x18: {  	s0 =	sld [smem:$0x3F9F];
	_ =	swait.ge [sflag:s4], $0x0  }
0x19: {  	s7 =	sld [smem:$0x3FA0]  }
0x1a: {  	s8 =	sadd.s32 $0xFFFFE003, lr  }
0x1b: {  	s9 =	sadd.s32 $0xFFFFFEF7, lr;
	s5 =	simm.s32 $0xFFFFFFFF;
	p2 =	slt.u32 s8, $0xFFFFF086  }
0x1c: {  	p1 =	slt.u32 s9, $0xF7A;
	s5 =	simm.s32 @!p2 $0x0  }
0x1d: {  	s5 =	simm.s32 @p1 $0x1;
	p0 =	seq.s32 s7, s2  }
0x1e: {  	s7 =	smul.u32 @!p0 $0xF7A, s2;
	p2 =	seq.s32 @!p0 s5, $0x0  }
0x1f: {  	s9 =	smul.u32 $0xF7A, s1;
	s8 =	simm.s32 @!p0 $0x1BF5;
	p2 =	por !p2, p0  }
0x20: {  	[sflag:s8] =	ssyncset.s32 @!p0 $0xFFFFF086;
	s6 =	sadd.s32 @!p0 s3, s7;
	s7 =	simm.s32 @!p0 $0x108  }
0x21: {  	s3 =	sadd.s32 s3, s9;
	s6 =	sadd.s32 @!p0 $0x88, s6;
	s7 =	simm.s32 @p2 $0x1082  }
0x22: {  	[simem:s7], [sflag:s8] =	dma.local @!p0 [hbm:s6], $0xF7A  }
0x23: {  	s9 =	sor.u32 $0xD0000000, s2;
	s6 =	simm.s32 $0x108;
	_ =	swait.ge @!p0 [sflag:s8], $0x0  }
0x24: {  	s3 =	sadd.s32 $0x88, s3;
	s6 =	simm.s32 @!p1 $0x1082;
	[sflag:s4] =	ssyncset.s32 $0xFFFFF086  }
0x25: {  	[simem:s6], [sflag:s4] =	dma.local [hbm:s3], $0xF7A  }
0x26: {  	[smem:$0x3FA0] =	sst s1;
	(tag) =	ssettag s2;
	_ =	strace s9  }
0x27: {  	s1 =	sld [smem:$0x3FB0]  }
0x28: {  	s2 =	sld [smem:$0x3FB1]  }
0x29: {  	s4 =	sld [smem:$0x3FB3]  }
0x2a: {  	p0 =	seq.s32 s5, $0x0;
	s5 =	sld [smem:$0x3FB4]  }
0x2b: {  	s6 =	sld [smem:$0x3FB5]  }
0x2c: {  	s7 =	sld [smem:$0x3FB6]  }
0x2d: {  	s3 =	simm.s32 $0x108;
	s8 =	sld [smem:$0x3FB7]  }
0x2e: {  	s3 =	simm.s32 @!p0 $0x1082;
	s9 =	sld [smem:$0x3FB8]  }
0x2f: {  	lr =	sadd.s32 s0, s3;
	s0 =	sld [smem:$0x3FAF]  }
0x30: {  	s3 =	sld [smem:$0x3FB2]  }
0x31: {  	[smem:$0x3FBB] =	sst s10  }
0x32: {  	s10 =	sld [smem:$0x3FB9];
	_ =	sdelay $0x3  }
0x33: {  	p0 =	seq.s32 s10, $0x1;
	s10 =	sld [smem:$0x3FBB];
	_ =	sdelay $0x3  }
0x34: {  	[smem:$0x3FBB] =	sst s10  }
0x35: {  	s10 =	sld [smem:$0x3FBA];
	_ =	sdelay $0x3  }
0x36: {  	p1 =	seq.s32 s10, $0x1;
	s10 =	sld [smem:$0x3FBB];
	_ =	sdelay $0x3  }
0x37: {  	[smem:$0x3FBB] =	sst s10  }
0x38: {  	s10 =	sld [smem:$0x3FBC]  }
0x39: {  	_ = 	snop;
	(pc) =	sbr.ind lr, $3  }
0x3a: {  	_ = 	snop  }
0x3b: {  	_ = 	snop  }
0x3c: {  	p2 =	seq.s32 s10, $0x1;
	s10 =	sld [smem:$0x3FBB]  }
0x3d: {  	_ =	shalt  }
0x3e: {  	_ =	shalt  }
0x3f: {  	_ =	shalt  }
0x40: {  	_ =	shalt  }
0x41: {  	_ =	shalt  }
0x42: {  	_ =	shalt  }
0x43: {  	_ =	shalt  }
0x44: {  	_ =	shalt  }
0x45: {  	_ =	shalt  }
0x46: {  	_ =	shalt  }
0x47: {  	_ =	shalt  }
0x48: {  	_ =	shalt  }
0x49: {  	_ =	shalt  }
0x4a: {  	_ =	shalt  }
0x4b: {  	_ =	shalt  }
0x4c: {  	_ =	shalt  }
0x4d: {  	_ =	shalt  }
0x4e: {  	_ =	shalt  }
0x4f: {  	_ =	shalt  }
0x50: {  	_ =	shalt  }
0x51: {  	_ =	shalt  }
0x52: {  	_ =	shalt  }
0x53: {  	_ =	shalt  }
0x54: {  	_ =	shalt  }
0x55: {  	_ =	shalt  }
0x56: {  	_ =	shalt  }
0x57: {  	_ =	shalt  }
0x58: {  	_ =	shalt  }
0x59: {  	_ =	shalt  }
0x5a: {  	_ =	shalt  }
0x5b: {  	_ =	shalt  }
0x5c: {  	_ =	shalt  }
0x5d: {  	_ =	shalt  }
0x5e: {  	_ =	shalt  }
0x5f: {  	_ =	shalt  }
0x60: {  	_ =	shalt  }
0x61: {  	_ =	shalt  }
0x62: {  	_ =	shalt  }
0x63: {  	_ =	shalt  }
0x64: {  	_ =	shalt  }
0x65: {  	_ =	shalt  }
0x66: {  	_ =	shalt  }
0x67: {  	_ =	shalt  }
0x68: {  	_ =	shalt  }
0x69: {  	_ =	shalt  }
0x6a: {  	_ =	shalt  }
0x6b: {  	_ =	shalt  }
0x6c: {  	_ =	shalt  }
0x6d: {  	_ =	shalt  }
0x6e: {  	_ =	shalt  }
0x6f: {  	_ =	shalt  }
0x70: {  	_ =	shalt  }
0x71: {  	_ =	shalt  }
0x72: {  	_ =	shalt  }
0x73: {  	_ =	shalt  }
0x74: {  	_ =	shalt  }
0x75: {  	_ =	shalt  }
0x76: {  	_ =	shalt  }
0x77: {  	_ =	shalt  }
0x78: {  	_ =	shalt  }
0x79: {  	_ =	shalt  }
0x7a: {  	_ =	shalt  }
0x7b: {  	_ =	shalt  }
0x7c: {  	_ =	shalt  }
0x7d: {  	_ =	shalt  }
0x7e: {  	_ =	shalt  }
0x7f: {  	_ =	shalt  }
0x80: {  	_ =	shalt  }
0x81: {  	_ =	shalt  }
0x82: {  	_ =	shalt  }
0x83: {  	_ =	shalt  }
0x84: {  	_ =	shalt  }
0x85: {  	_ =	shalt  }
0x86: {  	_ =	shalt  }
0x87: {  	_ =	shalt  }
.Lfunc_end0:
.L_simem_size_0:
called_computation_lowered:
.L_overlay_start_0:
0x88: {  	s2 =	sld [smem:$0x3FD9]  }
0x89: {  	s3 =	sld [smem:$0x3FFE];
	_ =	sdelay $0x1  }
0x8a: {  	s1 =	srdreg.scid  }
0x8b: {  	s0 =	sand.u32 $0x1, s1  }
0x8c: {  	s16 =	sshll.u32 s0, $0xA;
	s2 =	sadd.s32 s3, s2  }
0x8d: {  	s2 =	sadd.s32 s2, s16  }
0x8e: {  	[smem:$0x3FC7] =	sst s2  }
0x8f: {  	_ = 	snop  }
0x90: {  	(tm) =	ssettm $0x1  }
0x91: {  	s17 =	sld [smem:$0x3FFB];
	_ =	sdelay $0x3  }
0x92: {  	_ =	strace s17  }
0x93: {  	s2 =	sld [smem:$0x3FFC];
	_ =	sdelay $0x3  }
0x94: {  	_ =	strace s2  }
0x95: {  	s2 =	sld [smem:$0x3FFD];
	_ =	sdelay $0x3  }
0x96: {  	_ =	strace s2  }
0x97: {  	_ =	strace $0x8FFFFFFF  }
0x98: {  	s18 =	sld [smem:$0x3FDB];
	_ =	sdelay $0x1  }
0x99: {  	s19 =	simm.s32 $_scs_section_size  }
0x9a: {  	s4 =	simm.s32 $_size__tile_overlayer_lowered;
	s5 =	simm.s32 $_tile_overlayer_lowered  }
0x9b: {  	s22 =	simm.s32 $0x1BFF;
	s21 =	sshll.u32 s5, $0x1;
	s2 =	sadd.s32 s19, s18  }
0x9c: {  	s6 =	simm.s32 $0x0;
	s20 =	sshll.u32 s4, $0x1;
	s4 =	sadd.s32 s21, s2  }
0x9d: {  	[timem:s6], [sflag:s22] =	dma.local [hbm:s4], s20  }
0x9e: {  	_ =	swait.ge [sflag:s22], s20  }
0x9f: {  	s3 =	ssub.s32 $0x0, s20;
	[sflag:s22] =	ssyncset.done $0x0  }
0xa0: {  	[sflag:s22] =	ssyncadd.s32 s3;
	_ =	sdelay $0x1  }
0xa1: {  	s23 =	simm.s32 $0x1B8B  }
0xa2: {  	_ =	swait.ge [sflag:s23], $0x1  }
0xa3: {  	[sflag:s23] =	ssyncset.done $0x0  }
0xa4: {  	s25 =	simm.s32 $0x1B8E;
	s24 =	sld [smem:$0x3FFE];
	[sflag:s23] =	ssyncadd.s32 $0xFFFFFFFF  }
0xa5: {  	s26 =	simm.s32 $execute0_lowered;
	[smem:$0x3FD2] =	sst s25  }
0xa6: {  	s4 =	sshll.u32 s26, $0x1;
	_ =	strace $0x80000046;
	[dreg:$0x1] =	wrdreg $0xFFFFFFFF  }
0xa7: {  	s28 =	simm.s32 $_size_execute0_lowered;
	s2 =	sadd.s32 s2, s4;
	[dreg:$0x0] =	wrdreg $0x0  }
0xa8: {  	s4 =	sshll.u32 s28, $0x1;
	[dreg:$0x2] =	wrdreg s2  }
0xa9: {  	[dreg:$0x3] =	wrdreg s4  }
0xaa: {  	[dreg:$0x4] =	wrdreg $0xC0  }
0xab: {  	_ =	task [dreg:s6], $0x5FFFF  }
0xac: {  	[dreg:$0x1] =	wrdreg $0xFFFFFFFF  }
0xad: {  	[dreg:$0x0] =	wrdreg $0x60  }
0xae: {  	[dreg:$0x2] =	wrdreg s24  }
0xaf: {  	[dreg:$0x3] =	wrdreg $0x9  }
0xb0: {  	_ =	task.clear_ibuf [dreg:s6], $0x4FFFF;
	_ =	strace $0x90000046  }
0xb1: {  	s29 =	simm.s32 $0x9;
	_ =	strace $0x80000048  }
0xb2: {  	_ =	swait.ge [sflag:s29], $0x1  }
0xb3: {  	[sflag:s29] =	ssyncadd.s32 $0xFFFFFFFF  }
0xb4: {  	_ =	strace $0x90000048  }
0xb5: {  	_ =	sfence  }
0xb6: {  	s30 =	sld [smem:$0x0];
	_ =	sdelay $0x2  }
0xb7: {  	s31 =	sshll.u32 s1, $0xD;
	s1 =	sshrl.u32 s1, $0x2  }
0xb8: {  	s3 =	sand.u32 $0x4000, s31;
	s1 =	sadd.s32 s1, s30  }
0xb9: {  	s0 =	sor.u32 s3, s0;
	s1 =	sshll.u32 s1, $0x11  }
0xba: {  	s0 =	sor.u32 s1, s0  }
0xbb: {  	s0 =	sadd.s32 $0x8F2B, s0  }
0xbc: {  	[sflag:s0] =	ssyncadd.remote.s32 $0x1  }
0xbd: {  	_ =	sfence.sel $0xFFFF  }
0xbe: {  	[dreg:$0x0] =	wrdreg $0xFFFFFFFF;
	(pc) =	sbr.abs _section_cstart, $3  }
0xbf: {  	[dreg:$0x1] =	wrdreg $0xFFFFFFFF  }
0xc0: {  	_ =	task.clear_ibuf [dreg:s6], $0x2FFFF;
	_ =	strace $0x9FFFFFFF  }
0xc1: {  	(tm) =	ssettm $0x7FFFFFFF  }
tec
execute0_lowered:
.L_overlay_start_1:
0x0: {  	(tag) =	ssettag $0x1  }
0x1: {  	s3 =	rddreg [dreg:$0x0]  }
0x2: {  	s1 =	srdreg.scid;
	s0 =	rddreg [dreg:$0x1];
	s2 =	simm.s32 $0x0  }
0x3: {  	s9 =	simm.s32 $0x1;
	s10 =	simm.s32 $0x4000;
	s11 =	simm.s32 $0x4200  }
0x4: {  	s12 =	simm.s32 $0x0;
	s4 =	sand.u32 $0x1, s1;
	s1 =	stileid.u32  }
0x5: {  	[smem:$0x7FF] =	sst s2;
	s5 =	sshll.u32 s4, $0x4;
	s6 =	sshll.u32 s1, $0x6  }
0x6: {  	v0 =	vlaneseq.u32;
	vm0 =	vmmov $0x3ff;
	vm1 =	vmmov $0x1fff;
	_ =	strace $0x80000047;
	s4 =	ssub.s32 $0x2, s4;
	s5 =	sor.u32 s1, s5  }
0x7: {  	vm2 =	vmmov $0x1;
	vm3 =	vmmov $0x3;
	vm4 =	vmmov $0x7;
	s6 =	sand.u32 $0x40, s6;
	s8 =	sshrl.u32 s4, $0x1;
	s7 =	sshll.u32 s5, $0xB  }
0x8: {  	vm5 =	vmmov $0xf;
	vm6 =	vmmov $0x1f;
	vm7 =	vmmov $0x3f;
	s6 =	sadd.s32 s6, s3;
	s5 =	sshll.u32 s5, $0x6;
	s31 =	ssub.s32 s4, s8  }
0x9: {  	vm8 =	vmmov $0x7f;
	vm9 =	vmmov $0xff;
	v0 =	vmul.u32 $0xFFFFFFFF, v0;
	s8 =	simm.s32 $0x400;
	s7 =	sand.u32 $0xF000, s7;
	s5 =	sadd.s32 s5, s3  }
0xa: {  	vm10 =	vmmov $0x1ff;
	vm11 =	vmmov $0x7ff;
	vm12 =	vmmov $0xfff;
	s6 =	sadd.s32 s7, s6;
	s4 =	sadd.s32 $0x10E00, s5;
	s5 =	sadd.s32 $0x11600, s5  }
0xb: {  	vm13 =	vmmov $0x3fff;
	vm14 =	vmmov $0x7fff;
	v0 =	vadd.s32 $0xF, v0;
	s7 =	simm.s32 $0x200;
	s3 =	sadd.s32 $0xE00, s6;
	s6 =	smax.u32 s31, $0x1  }
.LBB2_1:
0xc: {  	[tilespmem:s2], [sflag:$0x1] =	stream.strided.gather [hbm4b:s3+s7], $0x4000, s8, s7, $0x38;
	[tilespmem:$0x4400] =	vst v63  }
0xd: {  	_ =	swait.ge [sflag:s9], $0x4000  }
0xe: {  	s14 =	sand.u32 $0x180, s2;
	s13 =	sand.u32 $0x3800, s2;
	[sflag:s9] =	ssyncset.done $0x0  }
0xf: {  	s13 =	sor.u32 s14, s13;
	[sflag:s9] =	ssyncadd.s32 $0xFFFFC000  }
0x10: {  	s15 =	sand.u32 $0xE000, s2;
	v1 =	vld [tilespmem:s13+$0x220]  }
0x11: {  	s15 =	sshrl.u32 s15, $0x2;
	v2 =	vld [tilespmem:s13+$0x230]  }
0x12: {  	s14 =	sor.u32 s14, s15;
	v3 =	vld [tilespmem:s13+$0x660]  }
0x13: {  	v4 =	vld [tilespmem:s14+$0x600]  }
0x14: {  	v5 =	vld [tilespmem:s14+$0x200]  }
0x15: {  	v6 =	vld [tilespmem:s13+$0x70];
	(xrf1) =	vsort.ascd.msk.f32 $0xffff, v1, v1  }
0x16: {  	v1 =	vld [tilespmem:s13+$0x670];
	(xrf1) =	vsort.ascd.msk.f32 $0xffff, v2, v2  }
0x17: {  	v2 =	vld [tilespmem:s13+$0x60];
	(xrf1) =	vsort.ascd.msk.f32 $0xffff, v3, v3  }
0x18: {  	v3 =	vld [tilespmem:s13+$0x250];
	(xrf1) =	vsort.ascd.msk.f32 $0xffff, v4, v4  }
0x19: {  	v4 =	vld [tilespmem:s13+$0x270];
	(xrf1) =	vsort.ascd.msk.f32 $0xffff, v5, v5  }
0x1a: {  	v5 =	vld [tilespmem:s13+$0x240];
	(xrf1) =	vsort.ascd.msk.f32 $0xffff, v6, v6  }
0x1b: {  	v6 =	vld [tilespmem:s13+$0x260];
	(xrf1) =	vsort.ascd.msk.f32 $0xffff, v1, v1  }
0x1c: {  	v1 =	vld [tilespmem:s14+$0x210];
	(xrf1) =	vsort.ascd.msk.f32 $0xffff, v2, v2  }
0x1d: {  	v2 =	vld [tilespmem:s14+$0x10];
	(xrf1) =	vsort.ascd.msk.f32 $0xffff, v3, v3  }
0x1e: {  	v3 =	vld [tilespmem:s14+$0x410];
	(xrf1) =	vsort.ascd.msk.f32 $0xffff, v4, v4  }
0x1f: {  	v4 =	vld [tilespmem:s14+$0x0];
	(xrf1) =	vsort.ascd.msk.f32 $0xffff, v5, v5  }
0x20: {  	v5 =	vld [tilespmem:s14+$0x610];
	(xrf1) =	vsort.ascd.msk.f32 $0xffff, v6, v6  }
0x21: {  	v6 =	vld [tilespmem:s14+$0x400];
	(xrf1) =	vsort.ascd.msk.f32 $0xffff, v1, v1  }
0x22: {  	(xrf1) =	vsort.ascd.msk.f32 $0xffff, v2, v2  }
0x23: {  	v1 =	vld [tilespmem:s13+$0x430];
	v2, _, _ =	vpop (xrf1);
	(xrf1) =	vsort.ascd.msk.f32 $0xffff, v3, v3  }
0x24: {  	v3 =	vld [tilespmem:s13+$0x30];
	(xrf1) =	vsort.ascd.msk.f32 $0xffff, v4, v4;
	v4, _, _ =	vpop (xrf1)  }
0x25: {  	(xrf1) =	vsort.ascd.msk.f32 $0xffff, v5, v5;
	v5, _, _ =	vpop (xrf1)  }
0x26: {  	v7 =	vld [tilespmem:s13+$0x420];
	(xrf1) =	vsort.ascd.msk.f32 $0xffff, v6, v6;
	v6, _, _ =	vpop (xrf1)  }
0x27: {  	v8 =	vld [tilespmem:s13+$0x20];
	v9, _, _ =	vpop (xrf1)  }
0x28: {  	(xrf1) =	vsort.ascd.msk.f32 $0xffff, v1, v1;
	v1, _, _ =	vpop (xrf1)  }
0x29: {  	v10 =	vld [tilespmem:s13+$0x450];
	(xrf1) =	vsort.ascd.msk.f32 $0xffff, v3, v3;
	v3, _, _ =	vpop (xrf1)  }
0x2a: {  	v4 =	vperm.xlane v4, v0;
	v3 =	vperm.xlane v3, v0  }
0x2b: {  	v11 =	vld [tilespmem:s13+$0x440];
	(xrf1) =	vsort.ascd.msk.f32 $0xffff, v7, v7;
	v7, _, _ =	vpop (xrf1)  }
0x2c: {  	v2 =	vmax.f32 v2, v4;
	v4 =	vld [tilespmem:s13+$0x50];
	(xrf1) =	vsort.ascd.msk.f32 $0xffff, v8, v8;
	v8, _, _ =	vpop (xrf1);
	v3 =	vmax.f32 v5, v3  }
0x2d: {  	(xrf1) =	vsort.ascd.msk.f32 $0xffff, v2, v2;
	v2 =	vld [tilespmem:s13+$0x40];
	v12, _, _ =	vpop (xrf1)  }
0x2e: {  	(xrf1) =	vsort.ascd.msk.f32 $0xffff, v10, v10;
	v5, _, _ =	vpop (xrf1)  }
0x2f: {  	(xrf1) =	vsort.ascd.msk.f32 $0xffff, v3, v3;
	v3, _, _ =	vpop (xrf1)  }
0x30: {  	v8 =	vperm.xlane v8, v0;
	(xrf1) =	vsort.ascd.msk.f32 $0xffff, v11, v11;
	v10, _, _ =	vpop (xrf1)  }
0x31: {  	v1 =	vperm.xlane v1, v0;
	(xrf1) =	vsort.ascd.msk.f32 $0xffff, v4, v4;
	v11, _, _ =	vpop (xrf1)  }
0x32: {  	v5 =	vmax.f32 v5, v8;
	(xrf1) =	vsort.ascd.msk.f32 $0xffff, v2, v2;
	v8 =	vperm.xlane v11, v0;
	v2, _, _ =	vpop (xrf1)  }
0x33: {  	v1 =	vmax.f32 v7, v1;
	v4 =	vld [tilespmem:s13+$0x470];
	v7, _, _ =	vpop (xrf1)  }
0x34: {  	(xrf1) =	vsort.ascd.msk.f32 $0xffff, v5, v5;
	v5 =	vmax.f32 v7, v8;
	_ =	sdelay $0x1  }
0x35: {  	v2 =	vperm.xlane v2, v0;
	(xrf1) =	vsort.ascd.msk.f32 $0xffff, v1, v1;
	v1, _, _ =	vpop (xrf1)  }
0x36: {  	(xrf1) =	vsort.ascd.msk.f32 $0xffff, v5, v5;
	v5, _, _ =	vpop (xrf1)  }
0x37: {  	v1 =	vperm.xlane v1, v0;
	(xrf1) =	vsort.ascd.msk.f32 $0xffff, v4, v4;
	v2 =	vmax.f32 v5, v2  }
0x38: {  	v4, _, _ =	vpop (xrf1);
	(xrf1) =	vsort.ascd.msk.f32 $0xffff, v2, v2;
	v2 =	vld [tilespmem:s13+$0x460]  }
0x39: {  	v1 =	vmax.f32 v6, v1;
	_ =	sdelay $0x1  }
0x3a: {  	v7 =	vperm.xlane v12, v0;
	v8 =	vld [tilespmem:s13+$0x630];
	v5, _, _ =	vpop (xrf1);
	(xrf1) =	vsort.ascd.msk.f32 $0xffff, v1, v1  }
0x3b: {  	v12 =	vld [tilespmem:s13+$0x620];
	v1, _, _ =	vpop (xrf1);
	v5 =	vperm.xlane v5, v0  }
0x3c: {  	v3 =	vmax.f32 v3, v7;
	v7 =	vld [tilespmem:s13+$0x650];
	v6, _, _ =	vpop (xrf1);
	(xrf1) =	vsort.ascd.msk.f32 $0xffff, v2, v2  }
0x3d: {  	v11, _, _ =	vpop (xrf1);
	v2 =	vmax.f32 v6, v5;
	v5 =	vld [tilespmem:s13+$0x640];
	(xrf1) =	vsort.ascd.msk.f32 $0xffff, v3, v3  }
0x3e: {  	v13, _, _ =	vpop (xrf1);
	(xrf1) =	vsort.ascd.msk.f32 $0xffff, v2, v2  }
0x3f: {  	v14, _, _ =	vpop (xrf1);
	(xrf1) =	vsort.ascd.msk.f32 $0xffff, v8, v8  }
0x40: {  	v4 =	vperm.xlane v4, v0;
	v6 =	vperm.xlane v10, v0;
	v3, _, _ =	vpop (xrf1);
	(xrf1) =	vsort.ascd.msk.f32 $0xffff, v12, v12  }
0x41: {  	v2, _, _ =	vpop (xrf1);
	(xrf1) =	vsort.ascd.msk.f32 $0xffff, v7, v7  }
0x42: {  	v6 =	vmax.f32 v9, v6;
	v9 =	vmax.f32 v1, v4;
	v4 =	vsel vm0, $0x7F800000, v11;
	v15, _, _ =	vpop (xrf1);
	(xrf1) =	vsort.ascd.msk.f32 $0xffff, v5, v5  }
0x43: {  	(xrf0) =	vmin.scan.msk.f32 $0xffff, v4;
	v16, _, _ =	vpop (xrf1);
	v7 =	vperm.xlane v13, v0;
	v13 =	vperm.xlane v2, v0  }
0x44: {  	v17, _, _ =	vpop (xrf1);
	(xrf1) =	vsort.ascd.msk.f32 $0xffff, v6, v6  }
0x45: {  	v5, _, _ =	vpop (xrf1);
	v10 =	vmax.f32 v3, v7;
	v3 =	vmax.f32 v15, v13  }
0x46: {  	s16 =	simm.s32 $0x2000;
	v1 =	vsel vm1, $0x7F800000, v14;
	v12, _, _ =	vpop (xrf1)  }
0x47: {  	s17 =	simm.s32 $0x0;
	s18 =	simm.s32 $0x4000;
	s19 =	simm.s32 $0x4200;
	v8 =	vsel vm1, $0x7F800000, v11;
	v2 =	vsel vm0, $0x7F800000, v14;
	v4 =	vsel vm1, $0x7F800000, v16;
	(xrf1) =	vsort.ascd.msk.f32 $0xffff, v3, v3;
	v6, _, _ =	vpop (xrf1)  }
0x48: {  	s15 =	simm.s32 $0x800;
	s14 =	simm.s32 $0x4200;
	s13 =	simm.s32 $0x4000;
	v7 =	vsel vm0, $0x7F800000, v16;
	v11 =	vsel vm0, $0x7F800000, v17;
	v13 =	vsel vm1, $0x7F800000, v17;
	v3, _, _ =	vpop (xrf1)  }
.LBB2_2:
0x49: {  	s17 =	sadd.s32 $0x10, s17;
	s18 =	sadd.s32 $0x10, s18;
	s19 =	sadd.s32 $0x10, s19;
	v14, _, _ =	vpop (xrf0);
	(xrf1) =	vsort.ascd.msk.f32 $0xffff, v9, v9  }
0x4a: {  	p0 =	sne.s32 s15, $0xF800;
	v9 =	vsel vm0, $0x7F800000, v5;
	s20 =	smov.u32 s15;
	s15 =	sadd.s32 $0x800, s15;
	v15, _, _ =	vpop (xrf1)  }
0x4b: {  	v12 =	vperm.xlane v12, v0;
	(xrf0) =	vmin.scan.msk.f32 $0xffff, v13;
	v13, _, _ =	vpop (xrf1)  }
0x4c: {  	v16, _, _ =	vpop (xrf1)  }
0x4d: {  	v12 =	vmax.f32 v15, v12;
	v17 =	vsel vm1, $0x7F800000, v16;
	(xrf0) =	vmin.scan.msk.f32 $0xffff, v11;
	v11, _, _ =	vpop (xrf1)  }
0x4e: {  	v15 =	vperm.xlane v11, v0;
	(xrf0) =	vmin.scan.msk.f32 $0xffff, v9;
	v9, _, _ =	vpop (xrf1)  }
0x4f: {  	(xrf1) =	vsort.ascd.msk.f32 $0xffff, v10, v10;
	v10, _, _ =	vpop (xrf1)  }
0x50: {  	v9 =	vmax.f32 v9, v15;
	v15 =	vperm.xlane v10, v0;
	(xrf0) =	vmin.scan.msk.f32 $0xffff, v8;
	v8, _, _ =	vpop (xrf1)  }
0x51: {  	v11, _, _ =	vpop (xrf0);
	(xrf1) =	vsort.ascd.msk.f32 $0xffff, v12, v12  }
0x52: {  	v16 =	vsel vm0, $0x7F800000, v16;
	v8 =	vmax.f32 v8, v15;
	(xrf0) =	vmin.scan.msk.f32 $0xffff, v17;
	v10, _, _ =	vpop (xrf1)  }
0x53: {  	v15 =	vsel vm0, $0x7F800000, v10;
	v18 =	vsel vm1, $0x7F800000, v10;
	(xrf0) =	vmin.scan.msk.f32 $0xffff, v16;
	v12, _, _ =	vpop (xrf0)  }
0x54: {  	v16 =	vsel vm0, $0x7F800000, v13;
	v17, _, _ =	vpop (xrf0);
	(xrf0) =	vmin.scan.msk.f32 $0xffff, v18  }
0x55: {  	v10, _, _ =	vpop (xrf1);
	(xrf0) =	vmin.scan.msk.f32 $0xffff, v15  }
0x56: {  	v13 =	vsel vm1, $0x7F800000, v13;
	v18 =	vsel vm0, $0x7F800000, v6;
	v15 =	vsel vm0, $0x7F800000, v10;
	v19, _, _ =	vpop (xrf0);
	(xrf0) =	vmin.scan.msk.f32 $0xffff, v7  }
0x57: {  	v6 =	vsel vm1, $0x7F800000, v6;
	v7 =	vsel vm1, $0x7F800000, v10;
	v10, _, _ =	vpop (xrf1);
	(xrf1) =	vsort.ascd.msk.f32 $0xffff, v8, v8  }
0x58: {  	v8 =	vsel vm0, $0x7F800000, v10;
	v10 =	vsel vm1, $0x7F800000, v10;
	v20, _, _ =	vpop (xrf0);
	(xrf1) =	vsort.ascd.msk.f32 $0xffff, v9, v9  }
0x59: {  	v9, _, _ =	vpop (xrf0)  }
0x5a: {  	v9 =	vbroadcast v9, $0xF;
	v21, _, _ =	vpop (xrf0);
	(xrf0) =	vmin.scan.msk.f32 $0xffff, v16  }
0x5b: {  	v16, _, _ =	vpop (xrf0);
	(xrf0) =	vmin.scan.msk.f32 $0xffff, v18  }
0x5c: {  	v5 =	vsel vm1, $0x7F800000, v5;
	(xrf0) =	vmin.scan.msk.f32 $0xffff, v15;
	v15, _, _ =	vpop (xrf0)  }
0x5d: {  	(xrf0) =	vmin.scan.msk.f32 $0xffff, v7;
	v7, _, _ =	vpop (xrf1)  }
0x5e: {  	(xrf0) =	vmin.scan.msk.f32 $0xffff, v10  }
0x5f: {  	v10 =	vsel vm0, $0x7F800000, v7;
	v7 =	vsel vm1, $0x7F800000, v7;
	v18, _, _ =	vpop (xrf1)  }
0x60: {  	v22, _, _ =	vpop (xrf0)  }
0x61: {  	(xrf0) =	vmin.scan.msk.f32 $0xffff, v4;
	v4, _, _ =	vpop (xrf0)  }
0x62: {  	v17 =	vbroadcast v17, $0xF;
	v19 =	vbroadcast v19, $0xF;
	(xrf0) =	vmin.scan.msk.f32 $0xffff, v5;
	v5, _, _ =	vpop (xrf0)  }
0x63: {  	v23 =	vsel vm0, $0x7F800000, v3;
	v3 =	vsel vm1, $0x7F800000, v3;
	v5 =	vbroadcast v5, $0xF;
	v24, _, _ =	vpop (xrf0);
	(xrf0) =	vmin.scan.msk.f32 $0xffff, v13  }
0x64: {  	v12 =	vbroadcast v12, $0xF;
	v9 =	vsel vm2, v17, v9;
	v13 =	vbroadcast v14, $0xF;
	v14, _, _ =	vpop (xrf0);
	(xrf0) =	vmin.scan.msk.f32 $0xffff, v10  }
0x65: {  	v10 =	vbroadcast v20, $0xF;
	v5 =	vsel vm3, v9, v5;
	v9 =	vbroadcast v16, $0xF;
	(xrf0) =	vmin.scan.msk.f32 $0xffff, v6;
	v6, _, _ =	vpop (xrf1)  }
0x66: {  	v5 =	vsel vm4, v5, v12;
	v12 =	vsel vm1, $0x7F800000, v18;
	v16 =	vsel vm0, $0x7F800000, v6;
	(xrf0) =	vmin.scan.msk.f32 $0xffff, v8;
	v8, _, _ =	vpop (xrf1)  }
0x67: {  	v6 =	vsel vm1, $0x7F800000, v6;
	v5 =	vsel vm5, v5, v9;
	v9 =	vbroadcast v15, $0xF;
	v15, _, _ =	vpop (xrf0);
	(xrf0) =	vmin.scan.msk.f32 $0xffff, v12  }
0x68: {  	v20 =	vbroadcast v22, $0xF;
	v5 =	vsel vm6, v5, v13;
	v13 =	vsel vm0, $0x7F800000, v8;
	v17, _, _ =	vpop (xrf0);
	(xrf0) =	vmin.scan.msk.f32 $0xffff, v7  }
0x69: {  	v7 =	vbroadcast v17, $0xF;
	v5 =	vsel vm7, v5, v9;
	v9 =	vsel vm0, $0x7F800000, v18;
	v17, _, _ =	vpop (xrf0);
	(xrf0) =	vmin.scan.msk.f32 $0xffff, v13  }
0x6a: {  	v11 =	vbroadcast v11, $0xF;
	v18 =	vbroadcast v24, $0xF;
	v5 =	vsel vm8, v5, v20;
	v12, _, _ =	vpop (xrf0);
	(xrf0) =	vmin.scan.msk.f32 $0xffff, v9  }
0x6b: {  	v9 =	vbroadcast v21, $0xF;
	v7 =	vsel vm2, v7, v10;
	v10 =	vbroadcast v14, $0xF;
	v14, _, _ =	vpop (xrf0);
	(xrf0) =	vmin.scan.msk.f32 $0xffff, v23  }
0x6c: {  	v4 =	vbroadcast v4, $0xF;
	v8 =	vsel vm1, $0x7F800000, v8;
	v7 =	vsel vm3, v7, v18;
	v13, _, _ =	vpop (xrf0);
	(xrf0) =	vmin.scan.msk.f32 $0xffff, v3  }
0x6d: {  	v3 =	vsel vm4, v7, v11;
	v7 =	vbroadcast v13, $0xF;
	v11 =	vbroadcast v12, $0xF;
	v12, _, _ =	vpop (xrf0);
	(xrf0) =	vmin.scan.msk.f32 $0xffff, v16  }
0x6e: {  	v4 =	vsel vm9, v5, v4;
	v3 =	vsel vm5, v3, v9;
	v9 =	vbroadcast v15, $0xF;
	v5, _, _ =	vpop (xrf0);
	(xrf0) =	vmin.scan.msk.f32 $0xffff, v8  }
0x6f: {  	s21 =	sand.u32 $0xE000, s16;
	v15 =	vbroadcast v17, $0xF;
	v3 =	vsel vm6, v3, v19;
	v5 =	vbroadcast v5, $0xF;
	v13, _, _ =	vpop (xrf0);
	(xrf0) =	vmin.scan.msk.f32 $0xffff, v6  }
0x70: {  	s22 =	sand.u32 $0x180, s17;
	s21 =	sshrl.u32 s21, $0x2;
	s20 =	sand.u32 $0x3800, s20;
	v14 =	vbroadcast v14, $0xF;
	v3 =	vsel vm7, v3, v9;
	v9 =	vbroadcast v12, $0xF;
	v12, _, _ =	vpop (xrf0)  }
0x71: {  	s21 =	sor.u32 s22, s21;
	s20 =	sor.u32 s22, s20;
	v4 =	vsel vm10, v4, v7;
	v3 =	vsel vm8, v3, v15;
	v12 =	vbroadcast v12, $0xF;
	v8, _, _ =	vpop (xrf0);
	(xrf0) =	vmin.scan.msk.f32 $0xffff, v2  }
0x72: {  	v2 =	vsel vm9, v3, v14;
	v3 =	vsel vm0, v4, v11;
	v4 =	vbroadcast v8, $0xF;
	v6, _, _ =	vpop (xrf0);
	(xrf0) =	vmin.scan.msk.f32 $0xffff, v1  }
0x73: {  	v1 =	vsel vm10, v2, v10;
	v2 =	vsel vm11, v3, v12;
	v3 =	vbroadcast v13, $0xF;
	v7, _, _ =	vpop (xrf0)  }
0x74: {  	v8 =	vbroadcast v6, $0xF;
	v1 =	vsel vm0, v1, v5;
	v2 =	vsel vm12, v2, v4;
	v5, _, _ =	vpop (xrf0)  }
0x75: {  	v6 =	vbroadcast v7, $0xF;
	v1 =	vsel vm11, v1, v9;
	v5 =	vbroadcast v5, $0xF;
	v7, _, _ =	vpop (xrf0)  }
0x76: {  	v2 =	vsel vm1, v2, v3;
	v1 =	vsel vm12, v1, v8;
	v7 =	vbroadcast v7, $0xF  }
0x77: {  	v2 =	vsel vm13, v2, v6;
	v1 =	vsel vm1, v1, v5;
	v4, _, _ =	vpop (xrf0)  }
0x78: {  	v1 =	vsel vm13, v1, v7;
	v2 =	vsel vm14, v2, v4;
	v3, _, _ =	vpop (xrf0)  }
0x79: {  	v1 =	vsel vm14, v1, v3;
	[tilespmem:s13+$0x0] =	vst v2;
	s13 =	smov.u32 s18  }
0x7a: {  	[tilespmem:s14+$0x0] =	vst v1;
	s14 =	smov.u32 s19  }
0x7b: {  	v1 =	vld [tilespmem:s20+$0x220]  }
0x7c: {  	v2 =	vld [tilespmem:s21+$0x600]  }
0x7d: {  	v3 =	vld [tilespmem:s20+$0x230]  }
0x7e: {  	v4 =	vld [tilespmem:s20+$0x660]  }
0x7f: {  	v5 =	vld [tilespmem:s21+$0x610]  }
0x80: {  	v6 =	vld [tilespmem:s21+$0x200]  }
0x81: {  	v7 =	vld [tilespmem:s20+$0x70];
	(xrf1) =	vsort.ascd.msk.f32 $0xffff, v1, v1  }
0x82: {  	v1 =	vld [tilespmem:s20+$0x670];
	(xrf1) =	vsort.ascd.msk.f32 $0xffff, v3, v3  }
0x83: {  	v3 =	vld [tilespmem:s20+$0x60];
	(xrf1) =	vsort.ascd.msk.f32 $0xffff, v4, v4  }
0x84: {  	v4 =	vld [tilespmem:s20+$0x250];
	(xrf1) =	vsort.ascd.msk.f32 $0xffff, v2, v2  }
0x85: {  	v2 =	vld [tilespmem:s20+$0x270];
	(xrf1) =	vsort.ascd.msk.f32 $0xffff, v6, v6  }
0x86: {  	v6 =	vld [tilespmem:s20+$0x240];
	(xrf1) =	vsort.ascd.msk.f32 $0xffff, v7, v7  }
0x87: {  	v7 =	vld [tilespmem:s20+$0x260];
	(xrf1) =	vsort.ascd.msk.f32 $0xffff, v1, v1  }
0x88: {  	v1 =	vld [tilespmem:s21+$0x210];
	(xrf1) =	vsort.ascd.msk.f32 $0xffff, v3, v3  }
0x89: {  	v3 =	vld [tilespmem:s21+$0x10];
	(xrf1) =	vsort.ascd.msk.f32 $0xffff, v4, v4  }
0x8a: {  	v4 =	vld [tilespmem:s21+$0x410];
	(xrf1) =	vsort.ascd.msk.f32 $0xffff, v2, v2  }
0x8b: {  	v2 =	vld [tilespmem:s21+$0x0];
	(xrf1) =	vsort.ascd.msk.f32 $0xffff, v6, v6  }
0x8c: {  	v6 =	vld [tilespmem:s20+$0x30];
	(xrf1) =	vsort.ascd.msk.f32 $0xffff, v7, v7  }
0x8d: {  	v7 =	vld [tilespmem:s21+$0x400];
	(xrf1) =	vsort.ascd.msk.f32 $0xffff, v1, v1  }
0x8e: {  	v1 =	vld [tilespmem:s20+$0x430];
	(xrf1) =	vsort.ascd.msk.f32 $0xffff, v3, v3  }
0x8f: {  	v3, _, _ =	vpop (xrf1);
	(xrf1) =	vsort.ascd.msk.f32 $0xffff, v4, v4  }
0x90: {  	v4 =	vld [tilespmem:s20+$0x420];
	(xrf1) =	vsort.ascd.msk.f32 $0xffff, v2, v2;
	v2, _, _ =	vpop (xrf1)  }
0x91: {  	v8 =	vld [tilespmem:s20+$0x20];
	v2 =	vperm.xlane v2, v0;
	(xrf1) =	vsort.ascd.msk.f32 $0xffff, v5, v5;
	v5, _, _ =	vpop (xrf1)  }
0x92: {  	(xrf1) =	vsort.ascd.msk.f32 $0xffff, v7, v7;
	v7, _, _ =	vpop (xrf1)  }
0x93: {  	v2 =	vmax.f32 v3, v2;
	v3 =	vld [tilespmem:s20+$0x450];
	v9, _, _ =	vpop (xrf1);
	(xrf1) =	vsort.ascd.msk.f32 $0xffff, v1, v1  }
0x94: {  	(xrf1) =	vsort.ascd.msk.f32 $0xffff, v6, v6;
	v1, _, _ =	vpop (xrf1)  }
0x95: {  	v1 =	vperm.xlane v1, v0;
	v6 =	vld [tilespmem:s20+$0x440];
	(xrf1) =	vsort.ascd.msk.f32 $0xffff, v4, v4;
	v4, _, _ =	vpop (xrf1)  }
0x96: {  	v10 =	vld [tilespmem:s20+$0x50];
	v4 =	vperm.xlane v4, v0;
	(xrf1) =	vsort.ascd.msk.f32 $0xffff, v8, v8;
	v8, _, _ =	vpop (xrf1)  }
0x97: {  	v1 =	vmax.f32 v8, v1;
	(xrf1) =	vsort.ascd.msk.f32 $0xffff, v2, v2;
	v2, _, _ =	vpop (xrf1)  }
0x98: {  	v8 =	vld [tilespmem:s20+$0x40];
	v2 =	vperm.xlane v2, v0;
	v11 =	vmax.f32 v5, v4;
	v5, _, _ =	vpop (xrf1);
	(xrf1) =	vsort.ascd.msk.f32 $0xffff, v3, v3  }
0x99: {  	v3 =	vperm.xlane v5, v0;
	v5, _, _ =	vpop (xrf1);
	(xrf1) =	vsort.ascd.msk.f32 $0xffff, v11, v11  }
0x9a: {  	v2 =	vmax.f32 v5, v2;
	v4, _, _ =	vpop (xrf1);
	(xrf1) =	vsort.ascd.msk.f32 $0xffff, v6, v6  }
0x9b: {  	(xrf1) =	vsort.ascd.msk.f32 $0xffff, v10, v10;
	v5, _, _ =	vpop (xrf1)  }
0x9c: {  	v5 =	vperm.xlane v5, v0;
	v6 =	vld [tilespmem:s20+$0x470];
	v10, _, _ =	vpop (xrf1)  }
0x9d: {  	v10 =	vperm.xlane v10, v0;
	(xrf1) =	vsort.ascd.msk.f32 $0xffff, v8, v8;
	v8, _, _ =	vpop (xrf1)  }
0x9e: {  	v3 =	vmax.f32 v4, v3;
	v5 =	vmax.f32 v9, v5;
	v4 =	vld [tilespmem:s20+$0x460];
	v9, _, _ =	vpop (xrf1);
	(xrf1) =	vsort.ascd.msk.f32 $0xffff, v2, v2  }
0x9f: {  	v11 =	vperm.xlane v8, v0;
	v9 =	vmax.f32 v9, v10;
	(xrf1) =	vsort.ascd.msk.f32 $0xffff, v1, v1;
	v1, _, _ =	vpop (xrf1)  }
0xa0: {  	v1 =	vperm.xlane v1, v0;
	v10 =	vld [tilespmem:s20+$0x630];
	(xrf1) =	vsort.ascd.msk.f32 $0xffff, v9, v9;
	v2, _, _ =	vpop (xrf1)  }
0xa1: {  	v2 =	vmax.f32 v2, v11;
	v8, _, _ =	vpop (xrf1);
	(xrf1) =	vsort.ascd.msk.f32 $0xffff, v6, v6  }
0xa2: {  	v6 =	vperm.xlane v8, v0;
	v11 =	vmax.f32 v7, v1;
	v7 =	vld [tilespmem:s20+$0x620];
	v8, _, _ =	vpop (xrf1);
	(xrf1) =	vsort.ascd.msk.f32 $0xffff, v2, v2  }
0xa3: {  	v12 =	vperm.xlane v8, v0;
	v8, _, _ =	vpop (xrf1);
	(xrf1) =	vsort.ascd.msk.f32 $0xffff, v11, v11  }
0xa4: {  	v9 =	vmax.f32 v8, v6;
	v6 =	vld [tilespmem:s20+$0x650];
	v1, _, _ =	vpop (xrf1)  }
0xa5: {  	v8, _, _ =	vpop (xrf1);
	(xrf1) =	vsort.ascd.msk.f32 $0xffff, v4, v4  }
0xa6: {  	v14 =	vmax.f32 v1, v12;
	v4 =	vsel vm0, $0x7F800000, v8;
	v8 =	vsel vm1, $0x7F800000, v8;
	v11 =	vld [tilespmem:s20+$0x640];
	(xrf1) =	vsort.ascd.msk.f32 $0xffff, v3, v3;
	v2, _, _ =	vpop (xrf1)  }
0xa7: {  	v13 =	vperm.xlane v2, v0;
	(xrf1) =	vsort.ascd.msk.f32 $0xffff, v14, v14;
	v1, _, _ =	vpop (xrf1)  }
0xa8: {  	v2 =	vsel vm0, $0x7F800000, v1;
	v1 =	vsel vm1, $0x7F800000, v1;
	v12, _, _ =	vpop (xrf1);
	(xrf1) =	vsort.ascd.msk.f32 $0xffff, v10, v10  }
0xa9: {  	v10 =	vmax.f32 v12, v13;
	v3, _, _ =	vpop (xrf1);
	(xrf1) =	vsort.ascd.msk.f32 $0xffff, v7, v7  }
0xaa: {  	v3 =	vperm.xlane v3, v0;
	(xrf1) =	vsort.ascd.msk.f32 $0xffff, v6, v6  }
0xab: {  	v6, _, _ =	vpop (xrf1);
	(xrf1) =	vsort.ascd.msk.f32 $0xffff, v11, v11  }
0xac: {  	v3 =	vmax.f32 v6, v3;
	(xrf0) =	vmin.scan.msk.f32 $0xffff, v4;
	v4, _, _ =	vpop (xrf1)  }
.Ltmp0:
0xad: {  	v7 =	vsel vm0, $0x7F800000, v4;
	v4 =	vsel vm1, $0x7F800000, v4;
	v6, _, _ =	vpop (xrf1);
	(xrf1) =	vsort.ascd.msk.f32 $0xffff, v5, v5;
	(pc) =	sbr.rel @p0 .LBB2_2-.Ltmp0, $4  }
0xae: {  	v11 =	vsel vm0, $0x7F800000, v6;
	v13 =	vsel vm1, $0x7F800000, v6;
	v5, _, _ =	vpop (xrf1)  }
0xaf: {  	v12, _, _ =	vpop (xrf1)  }
0xb0: {  	(xrf1) =	vsort.ascd.msk.f32 $0xffff, v3, v3;
	v6, _, _ =	vpop (xrf1)  }
0xb1: {  	s16 =	sadd.s32 $0x2000, s16;
	v3, _, _ =	vpop (xrf1)  }
0xb2: {  	v14, _, _ =	vpop (xrf0);
	(xrf1) =	vsort.ascd.msk.f32 $0xffff, v9, v9  }
0xb3: {  	(xrf0) =	vmin.scan.msk.f32 $0xffff, v13;
	v32, _, _ =	vpop (xrf1)  }
0xb4: {  	v34 =	vperm.xlane v12, v0;
	(xrf0) =	vmin.scan.msk.f32 $0xffff, v11;
	v33, _, _ =	vpop (xrf1)  }
0xb5: {  	v15 =	vsel vm0, $0x7F800000, v5;
	(xrf1) =	vsort.ascd.msk.f32 $0xffff, v10, v10;
	v16, _, _ =	vpop (xrf1)  }
0xb6: {  	(xrf0) =	vmin.scan.msk.f32 $0xffff, v15;
	v9 =	vmax.f32 v32, v34;
	v35, _, _ =	vpop (xrf1)  }
0xb7: {  	(xrf1) =	vsort.ascd.msk.f32 $0xffff, v9, v9;
	v36, _, _ =	vpop (xrf1)  }
0xb8: {  	(xrf0) =	vmin.scan.msk.f32 $0xffff, v8;
	v38 =	vsel vm1, $0x7F800000, v16;
	v37, _, _ =	vpop (xrf1)  }
0xb9: {  	(xrf0) =	vmin.scan.msk.f32 $0xffff, v38;
	v42, _, _ =	vpop (xrf0);
	v43 =	vperm.xlane v37, v0  }
0xba: {  	v40 =	vsel vm0, $0x7F800000, v16;
	v39, _, _ =	vpop (xrf1)  }
0xbb: {  	(xrf0) =	vmin.scan.msk.f32 $0xffff, v40;
	v41, _, _ =	vpop (xrf1);
	v46 =	vmax.f32 v39, v43  }
0xbc: {  	v12 =	vperm.xlane v35, v0;
	v44, _, _ =	vpop (xrf0);
	v17 =	vsel vm1, $0x7F800000, v41;
	(xrf1) =	vsort.ascd.msk.f32 $0xffff, v46, v46  }
0xbd: {  	v45, _, _ =	vpop (xrf0);
	(xrf0) =	vmin.scan.msk.f32 $0xffff, v17  }
0xbe: {  	v48 =	vmax.f32 v36, v12;
	v49, _, _ =	vpop (xrf0)  }
0xbf: {  	v8 =	vsel vm0, $0x7F800000, v41;
	(xrf1) =	vsort.ascd.msk.f32 $0xffff, v48, v48;
	v52, _, _ =	vpop (xrf0)  }
0xc0: {  	(xrf0) =	vmin.scan.msk.f32 $0xffff, v8;
	v47, _, _ =	vpop (xrf1)  }
0xc1: {  	v51 =	vsel vm0, $0x7F800000, v33;
	v18, _, _ =	vpop (xrf0);
	(xrf0) =	vmin.scan.msk.f32 $0xffff, v7  }
0xc2: {  	v53 =	vsel vm0, $0x7F800000, v6;
	v50, _, _ =	vpop (xrf1);
	(xrf0) =	vmin.scan.msk.f32 $0xffff, v51  }
0xc3: {  	v54 =	vsel vm0, $0x7F800000, v47;
	v19, _, _ =	vpop (xrf0);
	(xrf0) =	vmin.scan.msk.f32 $0xffff, v53  }
0xc4: {  	v57, _, _ =	vpop (xrf1);
	(xrf0) =	vmin.scan.msk.f32 $0xffff, v54  }
0xc5: {  	v9 =	vsel vm1, $0x7F800000, v47;
	v58, _, _ =	vpop (xrf1)  }
0xc6: {  	v55, _, _ =	vpop (xrf0);
	(xrf0) =	vmin.scan.msk.f32 $0xffff, v9  }
0xc7: {  	v56 =	vsel vm1, $0x7F800000, v50;
	v20, _, _ =	vpop (xrf0)  }
0xc8: {  	(xrf0) =	vmin.scan.msk.f32 $0xffff, v56;
	v21, _, _ =	vpop (xrf0)  }
0xc9: {  	v59 =	vsel vm1, $0x7F800000, v6;
	v60 =	vsel vm1, $0x7F800000, v5;
	(xrf0) =	vmin.scan.msk.f32 $0xffff, v4;
	v61, _, _ =	vpop (xrf0)  }
0xca: {  	v23 =	vsel vm0, $0x7F800000, v3;
	v14 =	vbroadcast v14, $0xF;
	v13 =	vsel vm1, $0x7F800000, v33;
	(xrf0) =	vmin.scan.msk.f32 $0xffff, v60;
	v62, _, _ =	vpop (xrf0)  }
0xcb: {  	v16 =	vbroadcast v42, $0xF;
	v10 =	vbroadcast v44, $0xF;
	v22 =	vsel vm0, $0x7F800000, v57;
	(xrf0) =	vmin.scan.msk.f32 $0xffff, v13;
	v27, _, _ =	vpop (xrf1)  }
0xcc: {  	v3 =	vsel vm1, $0x7F800000, v3;
	v17 =	vbroadcast v45, $0xF;
	v18 =	vbroadcast v18, $0xF;
	v24, _, _ =	vpop (xrf0);
	(xrf0) =	vmin.scan.msk.f32 $0xffff, v22  }
0xcd: {  	v11 =	vbroadcast v49, $0xF;
	v12 =	vbroadcast v52, $0xF;
	v8 =	vsel vm0, $0x7F800000, v50;
	v30, _, _ =	vpop (xrf1);
	(xrf0) =	vmin.scan.msk.f32 $0xffff, v59  }
0xce: {  	v63 =	vsel vm2, v17, v18;
	v28 =	vsel vm1, $0x7F800000, v58;
	v7 =	vsel vm0, $0x7F800000, v58;
	v25, _, _ =	vpop (xrf0);
	(xrf0) =	vmin.scan.msk.f32 $0xffff, v8  }
0xcf: {  	v41 =	vbroadcast v19, $0xF;
	v9 =	vsel vm1, $0x7F800000, v57;
	v26 =	vbroadcast v55, $0xF;
	v32, _, _ =	vpop (xrf0);
	(xrf0) =	vmin.scan.msk.f32 $0xffff, v28  }
0xd0: {  	v31 =	vbroadcast v20, $0xF;
	v5 =	vbroadcast v62, $0xF;
	v34 =	vsel vm0, $0x7F800000, v30;
	v35, _, _ =	vpop (xrf0);
	(xrf0) =	vmin.scan.msk.f32 $0xffff, v9  }
0xd1: {  	v33 =	vbroadcast v21, $0xF;
	v4 =	vbroadcast v61, $0xF;
	v29 =	vsel vm0, $0x7F800000, v27;
	v37, _, _ =	vpop (xrf0);
	(xrf0) =	vmin.scan.msk.f32 $0xffff, v34  }
0xd2: {  	v6 =	vsel vm1, $0x7F800000, v27;
	v5 =	vsel vm3, v63, v5;
	v36 =	vbroadcast v35, $0xF;
	v39, _, _ =	vpop (xrf0);
	(xrf0) =	vmin.scan.msk.f32 $0xffff, v7  }
0xd3: {  	v38 =	vbroadcast v24, $0xF;
	v42 =	vbroadcast v25, $0xF;
	v5 =	vsel vm4, v5, v10;
	v43, _, _ =	vpop (xrf0);
	(xrf0) =	vmin.scan.msk.f32 $0xffff, v23  }
0xd4: {  	v8 =	vsel vm1, $0x7F800000, v30;
	v5 =	vsel vm5, v5, v26;
	v40 =	vsel vm2, v36, v12;
	v44, _, _ =	vpop (xrf0);
	(xrf0) =	vmin.scan.msk.f32 $0xffff, v3  }
0xd5: {  	v47 =	vbroadcast v32, $0xF;
	v5 =	vsel vm6, v5, v14;
	v7 =	vsel vm3, v40, v38;
	v46, _, _ =	vpop (xrf0);
	(xrf0) =	vmin.scan.msk.f32 $0xffff, v29  }
0xd6: {  	v5 =	vsel vm7, v5, v31;
	v49 =	vbroadcast v37, $0xF;
	v3 =	vsel vm4, v7, v16;
	v48, _, _ =	vpop (xrf0);
	(xrf0) =	vmin.scan.msk.f32 $0xffff, v8  }
0xd7: {  	v5 =	vsel vm8, v5, v33;
	v10 =	vbroadcast v39, $0xF;
	v3 =	vsel vm5, v3, v41;
	v50, _, _ =	vpop (xrf0);
	(xrf0) =	vmin.scan.msk.f32 $0xffff, v6  }
0xd8: {  	v4 =	vsel vm9, v5, v4;
	v45 =	vbroadcast v44, $0xF;
	v3 =	vsel vm6, v3, v11;
	v53, _, _ =	vpop (xrf0)  }
0xd9: {  	v51 =	vbroadcast v43, $0xF;
	v5 =	vbroadcast v48, $0xF;
	v3 =	vsel vm7, v3, v47;
	v55, _, _ =	vpop (xrf0)  }
0xda: {  	v4 =	vsel vm10, v4, v45;
	v3 =	vsel vm8, v3, v49;
	v54 =	vbroadcast v53, $0xF;
	v57, _, _ =	vpop (xrf0)  }
0xdb: {  	(xrf0) =	vmin.scan.msk.f32 $0xffff, v2;
	v2 =	vsel vm9, v3, v51;
	v3 =	vsel vm0, v4, v10;
	v56 =	vbroadcast v55, $0xF;
	v58, _, _ =	vpop (xrf0)  }
0xdc: {  	(xrf0) =	vmin.scan.msk.f32 $0xffff, v1;
	v1 =	vsel vm10, v2, v42;
	v2 =	vsel vm11, v3, v54;
	v3 =	vbroadcast v50, $0xF;
	v60, _, _ =	vpop (xrf0)  }
0xdd: {  	v52 =	vbroadcast v46, $0xF;
	v59 =	vbroadcast v57, $0xF;
	v2 =	vsel vm12, v2, v56;
	v62, _, _ =	vpop (xrf0)  }
0xde: {  	v1 =	vsel vm0, v1, v5;
	v2 =	vsel vm1, v2, v3;
	v3 =	vbroadcast v62, $0xF  }
0xdf: {  	v61 =	vbroadcast v58, $0xF;
	v1 =	vsel vm11, v1, v52;
	v5 =	vbroadcast v60, $0xF  }
0xe0: {  	v1 =	vsel vm12, v1, v59  }
0xe1: {  	v2 =	vsel vm13, v2, v61;
	v63, _, _ =	vpop (xrf0);
	v1 =	vsel vm1, v1, v5  }
0xe2: {  	v2 =	vsel vm14, v2, v63;
	v1 =	vsel vm13, v1, v3;
	v3, _, _ =	vpop (xrf0)  }
0xe3: {  	[tilespmem:s13+$0x0] =	vst v2;
	v1 =	vsel vm14, v1, v3  }
0xe4: {  	[tilespmem:s14+$0x0] =	vst v1  }
0xe5: {  	[hbm4b:s4+s2] =	stream.linear.scatter [tilespmem:s10], [sflag:$0x1], $0x200, $0x38;
	[tilespmem:$0x4400] =	vst v63  }
0xe6: {  	s12 =	sadd.s32 $0x1, s12;
	_ =	swait.ge [sflag:s9], $0x200  }
0xe7: {  	p0 =	sne.s32 s12, s6;
	[sflag:s9] =	ssyncset.done $0x0  }
.Ltmp1:
0xe8: {  	[sflag:s9] =	ssyncadd.s32 $0xFFFFFE00;
	(pc) =	sbr.rel @p0 .LBB2_1-.Ltmp1, $4  }
0xe9: {  	[hbm4b:s5+s2] =	stream.linear.scatter [tilespmem:s11], [sflag:$0x1], $0x200, $0x38;
	[tilespmem:$0x4400] =	vst v63  }
0xea: {  	_ =	swait.ge [sflag:s9], $0x200  }
0xeb: {  	[sflag:s9] =	ssyncset.done $0x0  }
0xec: {  	[sflag:s9] =	ssyncadd.s32 $0xFFFFFE00  }
0xed: {  	_ =	sfence.sel $0x180000  }
0xee: {  	[bflag:$0x0] =	sbarrier.arrive $0xFFFF  }
0xef: {  	p0 =	sne.s32 s1, $0x0;
	_ =	strace $0x90000047  }
0xf0: {  	s0 =	sadd.s32 @!p0 $0x100000, s0;
	[bflag:$0x2] =	sbarrier.arrive $0xFFFF  }
0xf1: {  	[sflag:s0] =	ssyncadd.tile.s32 @!p0 $0x1;
	_ =	shalt  }
.Lfunc_end2:
_tile_overlayer_lowered:
.L_overlay_start_2:
0xf2: {  	(tag) =	ssettag $0x2  }
0xf3: {  	s0 =	rddreg [dreg:$0x0];
	s2 =	stileid.u32  }
0xf4: {  	s1 =	rddreg [dreg:$0x1];
	p0 =	sne.s32 s2, $0x0  }
0xf5: {  	s3 =	rddreg [dreg:$0x2];
	[bflag:$0x3] =	sbarrier.arrive $0xFFFF;
	s2 =	simm.s32 @!p0 $0x1C01  }
0xf6: {  	[timem:s3], [sflag:s2] =	dma.local @!p0 [hbm:s0], s1  }
0xf7: {  	s0 =	simm.s32 @!p0 $0x1  }
0xf8: {  	_ =	swait.ge @!p0 [sflag:s0], s1  }
0xf9: {  	s1 =	ssub.s32 @!p0 $0x0, s1;
	[sflag:s0] =	ssyncset.done @!p0 $0x0  }
0xfa: {  	[sflag:s0] =	ssyncadd.s32 @!p0 s1  }
0xfb: {  	[bflag:$0x3] =	sbarrier.arrive $0xFFFF  }
0xfc: {  	_ =	shalt  }

</sc_bundles>
